<compile_context>
chip_gen: v7x
topology: tpu7x:2x2x1
jax: 0.10.2.dev20260603
libtpu: 0.0.44.dev20260713+nightly
codegen_flags: <defaults>
</compile_context>

<pallas_src>
import dataclasses
import functools

import jax
import jax.numpy as jnp
from jax import lax
from jax.experimental import pallas as pl
from jax.experimental.pallas import tpu as pltpu
from jax.experimental.pallas import tpu_sc as plsc

E = 8
D_IN = 768
D_OUT = 768
N_TOKENS = 4096
NK = 8192
HALF = NK // 2

NC = 2
NS = 16
NW = NC * NS
PER_W = NK // NW
CHUNK = 64

BLK = 1024
N_TILES = NK // BLK


def _sc_compiler_params():
    cp = pltpu.CompilerParams()
    if "needs_layout_passes" in pltpu.CompilerParams.__dataclass_fields__:
        cp = dataclasses.replace(cp, needs_layout_passes=False)
    return cp


@functools.cache
def _build_sc_gather():
    mesh = plsc.VectorSubcoreMesh(core_axis_name="c", subcore_axis_name="s")

    @functools.partial(
        pl.kernel,
        mesh=mesh,
        compiler_params=_sc_compiler_params(),
        out_type=jax.ShapeDtypeStruct((NK, D_IN), jnp.float32),
        scratch_types=[
            pltpu.VMEM((CHUNK,), jnp.int32),
            pltpu.VMEM((CHUNK, D_IN), jnp.float32),
            pltpu.SemaphoreType.DMA,
        ],
    )
    def _gather(idx_hbm, src_hbm, out_hbm, idx_v, rows_v, sem):
        wid = lax.axis_index("s") * NC + lax.axis_index("c")
        base = wid * PER_W
        for c in range(PER_W // CHUNK):
            off = base + c * CHUNK
            pltpu.sync_copy(idx_hbm.at[pl.ds(off, CHUNK)], idx_v)
            pltpu.async_copy(src_hbm.at[idx_v], rows_v, sem).wait()
            pltpu.sync_copy(rows_v, out_hbm.at[pl.ds(off, CHUNK)])

    return _gather


@functools.cache
def _build_sc_scatter():
    mesh = plsc.VectorSubcoreMesh(core_axis_name="c", subcore_axis_name="s")

    @functools.partial(
        pl.kernel,
        mesh=mesh,
        compiler_params=_sc_compiler_params(),
        out_type=jax.ShapeDtypeStruct((NK, D_OUT), jnp.float32),
        scratch_types=[
            pltpu.VMEM((CHUNK,), jnp.int32),
            pltpu.VMEM((CHUNK, D_OUT), jnp.float32),
            pltpu.SemaphoreType.DMA,
        ],
    )
    def _scatter(idx_hbm, y_hbm, out_hbm, idx_v, rows_v, sem):
        wid = lax.axis_index("s") * NC + lax.axis_index("c")
        base = wid * PER_W
        for c in range(PER_W // CHUNK):
            off = base + c * CHUNK
            pltpu.sync_copy(idx_hbm.at[pl.ds(off, CHUNK)], idx_v)
            pltpu.sync_copy(y_hbm.at[pl.ds(off, CHUNK)], rows_v)
            pltpu.async_copy(rows_v, out_hbm.at[idx_v], sem).wait()

    return _scatter


def _mm_body(sei_ref, x_ref, w_ref, o_ref):
    e_lo = sei_ref[0, 0, 0]
    e_hi = sei_ref[0, 0, BLK - 1]
    o_ref[...] = jnp.zeros_like(o_ref)
    sei2 = sei_ref[0]
    row = lax.broadcasted_iota(jnp.int32, (BLK, 1), 0)
    for e in range(E):
        @pl.when((e >= e_lo) & (e <= e_hi))
        def _():
            lo = jnp.sum((sei2 < e).astype(jnp.int32))
            hi = jnp.sum((sei2 <= e).astype(jnp.int32))
            mask = (row >= lo) & (row < hi)
            xm = jnp.where(mask, x_ref[...], 0.0).astype(jnp.bfloat16)
            o_ref[...] += lax.dot_general(
                xm, w_ref[e],
                (((1,), (0,)), ((), ())),
                preferred_element_type=jnp.float32,
            )


def _grouped_mm(sei3, x_sorted, wt):
    n_tiles = x_sorted.shape[0] // BLK
    return pl.pallas_call(
        _mm_body,
        grid=(n_tiles,),
        in_specs=[
            pl.BlockSpec((1, 1, BLK), lambda i: (i, 0, 0)),
            pl.BlockSpec((BLK, D_IN), lambda i: (i, 0)),
            pl.BlockSpec((E, D_IN, D_OUT), lambda i: (0, 0, 0)),
        ],
        out_specs=pl.BlockSpec((BLK, D_OUT), lambda i: (i, 0)),
        out_shape=jax.ShapeDtypeStruct((x_sorted.shape[0], D_OUT), jnp.float32),
        compiler_params=pltpu.CompilerParams(
            dimension_semantics=("arbitrary",)),
    )(sei3, x_sorted, wt)


def kernel(inputs, weight, k, sorted_expert_idxs, sorted_scattered_idxs,
           padded_block_idxs):
    kk = sorted_scattered_idxs.shape[0] // inputs.shape[0]
    in_idx = sorted_scattered_idxs // kk
    wt = jnp.transpose(weight, (0, 2, 1)).astype(jnp.bfloat16)
    x_sorted = _build_sc_gather()(in_idx, inputs)
    sei3 = sorted_expert_idxs.reshape(N_TILES, 1, BLK)
    y_sorted = _grouped_mm(sei3, x_sorted, wt)
    return _build_sc_scatter()(sorted_scattered_idxs, y_sorted)

# --- scband reference (transcript-rebuilt; emitter-appended) ---
"""Pipeline reference for scband-parallel-experts-50878182588545 (READ-ONLY COPY).

The authoritative reference and input builder live on the scoring server;
editing this copy changes nothing except your own understanding.
"""

import jax, jax.numpy as jnp
import numpy as np

NUM_EXPERTS = 8
INPUT_SIZE = 768
OUTPUT_SIZE = 768
N_TOKENS = 4096
TOP_K = 2


def setup_inputs(seed: int = 0) -> dict:
    key = jax.random.key(seed)
    k1, k2, k3 = jax.random.split(key, 3)
    inputs = jax.random.normal(k1, (N_TOKENS, INPUT_SIZE), dtype=jnp.float32)
    # Learned parameter: weight [E, output_size, input_size] (as in nn.Parameter)
    weight = jax.random.normal(k2, (NUM_EXPERTS, OUTPUT_SIZE, INPUT_SIZE), dtype=jnp.float32) * (1.0 / np.sqrt(INPUT_SIZE))
    # Router assignments: each of N_TOKENS*TOP_K slots gets an expert; sort defines the
    # scatter-gather schedule exactly as scattermoe's flatten_and_sort does.
    expert_assign = jax.random.randint(k3, (N_TOKENS * TOP_K,), 0, NUM_EXPERTS, dtype=jnp.int32)
    sorted_scattered_idxs = jnp.argsort(expert_assign).astype(jnp.int32)
    sorted_expert_idxs = jnp.sort(expert_assign).astype(jnp.int32)
    # Block scheduling metadata; does not affect the math of the kernel output.
    padded_block_idxs = jnp.zeros((64,), dtype=jnp.int32)
    return {
        "inputs": inputs,
        "weight": weight,
        "k": TOP_K,
        "sorted_expert_idxs": sorted_expert_idxs,
        "sorted_scattered_idxs": sorted_scattered_idxs,
        "padded_block_idxs": padded_block_idxs,
    }


def _scatter2scatter(inputs, expert_weights, sorted_expert_idxs, sorted_scattered_idxs, k):
    # x_grouped=False, y_grouped=False semantics of scattermoe's scatter2scatter:
    #   for each sorted slot i:
    #     in_row  = sorted_scattered_idxs[i] // k      (gather from ungrouped input)
    #     out_row = sorted_scattered_idxs[i]           (scatter to ungrouped output)
    #     y[out_row] = inputs[in_row] @ expert_weights[sorted_expert_idxs[i]]
    nk = sorted_expert_idxs.shape[0]
    in_idx = sorted_scattered_idxs // k
    xs = jnp.take(inputs, in_idx, axis=0)  # [Nk, D_in]
    d_out = expert_weights.shape[-1]
    y_sorted = jnp.zeros((nk, d_out), dtype=inputs.dtype)
    for e in range(expert_weights.shape[0]):
        mask = (sorted_expert_idxs == e)[:, None]
        y_sorted = y_sorted + jnp.where(mask, xs @ expert_weights[e], 0.0)
    out = jnp.zeros((nk, d_out), dtype=inputs.dtype).at[sorted_scattered_idxs].set(y_sorted)
    return out


def reference(inputs, weight, k, sorted_expert_idxs, sorted_scattered_idxs, padded_block_idxs):
    # ParallelExperts.forward: permute weight [E, D_out, D_in] -> [E, D_in, D_out]
    expert_weights = jnp.transpose(weight, (0, 2, 1))
    output = _scatter2scatter(inputs, expert_weights, sorted_expert_idxs, sorted_scattered_idxs, k)
    # gates=None path: no bmm reduction
    return output

if __name__ == "__main__":
    import jax
    _d = setup_inputs()
    print(jax.jit(kernel)(*tuple(_d.values())))

</pallas_src>

<mosaic_0001>
#map = affine_map<(d0, d1) -> (0)>
#map1 = affine_map<(d0, d1) -> (0, 0)>
module attributes {stable_mosaic.version = 14 : i64} {
  func.func @_scatter(%arg0: i32, %arg1: i32, %arg2: memref<8192xi32, #tpu.memory_space<hbm>>, %arg3: memref<8192x768xf32, #tpu.memory_space<hbm>>, %arg4: memref<8192x768xf32, #tpu.memory_space<hbm>>, %arg5: memref<64xi32, #tpu.memory_space<vmem>>, %arg6: memref<64x768xf32, #tpu.memory_space<vmem>>, %arg7: memref<!tpu.dma_semaphore, #tpu.memory_space<semaphore_mem>>) attributes {dimension_semantics = [#tpu.dimension_semantics<core_parallel>, #tpu.dimension_semantics<subcore_parallel>], iteration_bounds = array<i64: 2, 16>, scalar_prefetch = 0 : i64, scratch_operands = 3 : i64, tpu.core_type = #tpu.core_type<sc_vector_subcore>, window_params = [{transform_indices = #map}, {transform_indices = #map1}, {transform_indices = #map1}]} {
    %mul3A = arith.constant 2 : i32
    %mul3A_0 = arith.muli %arg1, %mul3A : i32
    %add3A = arith.addi %mul3A_0, %arg0 : i32
    %mul3A_1 = arith.constant 256 : i32
    %mul3A_2 = arith.muli %add3A, %mul3A_1 : i32
    %add3A_3 = arith.constant 0 : i32
    %add3A_4 = arith.addi %mul3A_2, %add3A_3 : i32
    "tpu.region"() ({
      %run_scoped3A = tpu.sem_alloc : memref<!tpu.dma_semaphore, #tpu.memory_space<semaphore_mem>>
      %dma_start3A_33 = tpu.memref_slice %arg2[%add3A_4] : memref<8192xi32, #tpu.memory_space<hbm>> -> memref<64xi32, #tpu.memory_space<hbm>>
      %dma_start3A_34 = tpu.memref_slice %arg2[%add3A_4] : memref<8192xi32, #tpu.memory_space<hbm>> -> memref<64xi32, #tpu.memory_space<hbm>>
      tpu.enqueue_dma source(%dma_start3A_34 : memref<64xi32, #tpu.memory_space<hbm>>) target(%arg5 : memref<64xi32, #tpu.memory_space<vmem>>) target_semaphore(%run_scoped3A : memref<!tpu.dma_semaphore, #tpu.memory_space<semaphore_mem>>)
      %dma_wait3A_35 = tpu.memref_slice %arg2[%add3A_4] : memref<8192xi32, #tpu.memory_space<hbm>> -> memref<64xi32, #tpu.memory_space<hbm>>
      %dma_wait3A_36 = tpu.memref_slice %arg2[%add3A_4] : memref<8192xi32, #tpu.memory_space<hbm>> -> memref<64xi32, #tpu.memory_space<hbm>>
      tpu.wait_dma2 semaphore(%run_scoped3A : memref<!tpu.dma_semaphore, #tpu.memory_space<semaphore_mem>>) src(%dma_wait3A_36 : memref<64xi32, #tpu.memory_space<hbm>>) dst(%arg5 : memref<64xi32, #tpu.memory_space<vmem>>)
      tpu.yield
    }) : () -> ()
    "tpu.region"() ({
      %run_scoped3A = tpu.sem_alloc : memref<!tpu.dma_semaphore, #tpu.memory_space<semaphore_mem>>
      %dma_start3A_33 = arith.constant 0 : i32
      %dma_start3A_34 = tpu.memref_slice %arg3[%add3A_4, %dma_start3A_33] : memref<8192x768xf32, #tpu.memory_space<hbm>> -> memref<64x768xf32, #tpu.memory_space<hbm>>
      %dma_start3A_35 = arith.constant 0 : i32
      %dma_start3A_36 = tpu.memref_slice %arg3[%add3A_4, %dma_start3A_35] : memref<8192x768xf32, #tpu.memory_space<hbm>> -> memref<64x768xf32, #tpu.memory_space<hbm>>
      tpu.enqueue_dma source(%dma_start3A_36 : memref<64x768xf32, #tpu.memory_space<hbm>>) target(%arg6 : memref<64x768xf32, #tpu.memory_space<vmem>>) target_semaphore(%run_scoped3A : memref<!tpu.dma_semaphore, #tpu.memory_space<semaphore_mem>>)
      %dma_wait3A_37 = arith.constant 0 : i32
      %dma_wait3A_38 = tpu.memref_slice %arg3[%add3A_4, %dma_wait3A_37] : memref<8192x768xf32, #tpu.memory_space<hbm>> -> memref<64x768xf32, #tpu.memory_space<hbm>>
      %dma_wait3A_39 = arith.constant 0 : i32
      %dma_wait3A_40 = tpu.memref_slice %arg3[%add3A_4, %dma_wait3A_39] : memref<8192x768xf32, #tpu.memory_space<hbm>> -> memref<64x768xf32, #tpu.memory_space<hbm>>
      tpu.wait_dma2 semaphore(%run_scoped3A : memref<!tpu.dma_semaphore, #tpu.memory_space<semaphore_mem>>) src(%dma_wait3A_40 : memref<64x768xf32, #tpu.memory_space<hbm>>) dst(%arg6 : memref<64x768xf32, #tpu.memory_space<vmem>>)
      tpu.yield
    }) : () -> ()
    %dma_start3A = arith.constant 0 : i32
    %dma_start3A_5 = arith.constant 0 : i32
    %dma_start3A_6 = tpu.memref_slice %arg4[%dma_start3A, %dma_start3A_5] : memref<8192x768xf32, #tpu.memory_space<hbm>> -> memref<8192x768xf32, #tpu.memory_space<hbm>>
    tpu.enqueue_indirect_dma source(%arg6 : memref<64x768xf32, #tpu.memory_space<vmem>>) target(%dma_start3A_6 : memref<8192x768xf32, #tpu.memory_space<hbm>>) offsets(%arg5 : memref<64xi32, #tpu.memory_space<vmem>>) semaphore(%arg7 : memref<!tpu.dma_semaphore, #tpu.memory_space<semaphore_mem>>)
    %dma_wait3A = arith.constant 0 : i32
    %dma_wait3A_7 = arith.constant 0 : i32
    %dma_wait3A_8 = tpu.memref_slice %arg4[%dma_wait3A, %dma_wait3A_7] : memref<8192x768xf32, #tpu.memory_space<hbm>> -> memref<8192x768xf32, #tpu.memory_space<hbm>>
    tpu.wait_indirect_dma semaphore(%arg7 : memref<!tpu.dma_semaphore, #tpu.memory_space<semaphore_mem>>) src(%arg6 : memref<64x768xf32, #tpu.memory_space<vmem>>) dst(%dma_wait3A_8 : memref<8192x768xf32, #tpu.memory_space<hbm>>)
    %add3A_9 = arith.constant 64 : i32
    %add3A_10 = arith.addi %mul3A_2, %add3A_9 : i32
    "tpu.region"() ({
      %run_scoped3A = tpu.sem_alloc : memref<!tpu.dma_semaphore, #tpu.memory_space<semaphore_mem>>
      %dma_start3A_33 = tpu.memref_slice %arg2[%add3A_10] : memref<8192xi32, #tpu.memory_space<hbm>> -> memref<64xi32, #tpu.memory_space<hbm>>
      %dma_start3A_34 = tpu.memref_slice %arg2[%add3A_10] : memref<8192xi32, #tpu.memory_space<hbm>> -> memref<64xi32, #tpu.memory_space<hbm>>
      tpu.enqueue_dma source(%dma_start3A_34 : memref<64xi32, #tpu.memory_space<hbm>>) target(%arg5 : memref<64xi32, #tpu.memory_space<vmem>>) target_semaphore(%run_scoped3A : memref<!tpu.dma_semaphore, #tpu.memory_space<semaphore_mem>>)
      %dma_wait3A_35 = tpu.memref_slice %arg2[%add3A_10] : memref<8192xi32, #tpu.memory_space<hbm>> -> memref<64xi32, #tpu.memory_space<hbm>>
      %dma_wait3A_36 = tpu.memref_slice %arg2[%add3A_10] : memref<8192xi32, #tpu.memory_space<hbm>> -> memref<64xi32, #tpu.memory_space<hbm>>
      tpu.wait_dma2 semaphore(%run_scoped3A : memref<!tpu.dma_semaphore, #tpu.memory_space<semaphore_mem>>) src(%dma_wait3A_36 : memref<64xi32, #tpu.memory_space<hbm>>) dst(%arg5 : memref<64xi32, #tpu.memory_space<vmem>>)
      tpu.yield
    }) : () -> ()
    "tpu.region"() ({
      %run_scoped3A = tpu.sem_alloc : memref<!tpu.dma_semaphore, #tpu.memory_space<semaphore_mem>>
      %dma_start3A_33 = arith.constant 0 : i32
      %dma_start3A_34 = tpu.memref_slice %arg3[%add3A_10, %dma_start3A_33] : memref<8192x768xf32, #tpu.memory_space<hbm>> -> memref<64x768xf32, #tpu.memory_space<hbm>>
      %dma_start3A_35 = arith.constant 0 : i32
      %dma_start3A_36 = tpu.memref_slice %arg3[%add3A_10, %dma_start3A_35] : memref<8192x768xf32, #tpu.memory_space<hbm>> -> memref<64x768xf32, #tpu.memory_space<hbm>>
      tpu.enqueue_dma source(%dma_start3A_36 : memref<64x768xf32, #tpu.memory_space<hbm>>) target(%arg6 : memref<64x768xf32, #tpu.memory_space<vmem>>) target_semaphore(%run_scoped3A : memref<!tpu.dma_semaphore, #tpu.memory_space<semaphore_mem>>)
      %dma_wait3A_37 = arith.constant 0 : i32
      %dma_wait3A_38 = tpu.memref_slice %arg3[%add3A_10, %dma_wait3A_37] : memref<8192x768xf32, #tpu.memory_space<hbm>> -> memref<64x768xf32, #tpu.memory_space<hbm>>
      %dma_wait3A_39 = arith.constant 0 : i32
      %dma_wait3A_40 = tpu.memref_slice %arg3[%add3A_10, %dma_wait3A_39] : memref<8192x768xf32, #tpu.memory_space<hbm>> -> memref<64x768xf32, #tpu.memory_space<hbm>>
      tpu.wait_dma2 semaphore(%run_scoped3A : memref<!tpu.dma_semaphore, #tpu.memory_space<semaphore_mem>>) src(%dma_wait3A_40 : memref<64x768xf32, #tpu.memory_space<hbm>>) dst(%arg6 : memref<64x768xf32, #tpu.memory_space<vmem>>)
      tpu.yield
    }) : () -> ()
    %dma_start3A_11 = arith.constant 0 : i32
    %dma_start3A_12 = arith.constant 0 : i32
    %dma_start3A_13 = tpu.memref_slice %arg4[%dma_start3A_11, %dma_start3A_12] : memref<8192x768xf32, #tpu.memory_space<hbm>> -> memref<8192x768xf32, #tpu.memory_space<hbm>>
    tpu.enqueue_indirect_dma source(%arg6 : memref<64x768xf32, #tpu.memory_space<vmem>>) target(%dma_start3A_13 : memref<8192x768xf32, #tpu.memory_space<hbm>>) offsets(%arg5 : memref<64xi32, #tpu.memory_space<vmem>>) semaphore(%arg7 : memref<!tpu.dma_semaphore, #tpu.memory_space<semaphore_mem>>)
    %dma_wait3A_14 = arith.constant 0 : i32
    %dma_wait3A_15 = arith.constant 0 : i32
    %dma_wait3A_16 = tpu.memref_slice %arg4[%dma_wait3A_14, %dma_wait3A_15] : memref<8192x768xf32, #tpu.memory_space<hbm>> -> memref<8192x768xf32, #tpu.memory_space<hbm>>
    tpu.wait_indirect_dma semaphore(%arg7 : memref<!tpu.dma_semaphore, #tpu.memory_space<semaphore_mem>>) src(%arg6 : memref<64x768xf32, #tpu.memory_space<vmem>>) dst(%dma_wait3A_16 : memref<8192x768xf32, #tpu.memory_space<hbm>>)
    %add3A_17 = arith.constant 128 : i32
    %add3A_18 = arith.addi %mul3A_2, %add3A_17 : i32
    "tpu.region"() ({
      %run_scoped3A = tpu.sem_alloc : memref<!tpu.dma_semaphore, #tpu.memory_space<semaphore_mem>>
      %dma_start3A_33 = tpu.memref_slice %arg2[%add3A_18] : memref<8192xi32, #tpu.memory_space<hbm>> -> memref<64xi32, #tpu.memory_space<hbm>>
      %dma_start3A_34 = tpu.memref_slice %arg2[%add3A_18] : memref<8192xi32, #tpu.memory_space<hbm>> -> memref<64xi32, #tpu.memory_space<hbm>>
      tpu.enqueue_dma source(%dma_start3A_34 : memref<64xi32, #tpu.memory_space<hbm>>) target(%arg5 : memref<64xi32, #tpu.memory_space<vmem>>) target_semaphore(%run_scoped3A : memref<!tpu.dma_semaphore, #tpu.memory_space<semaphore_mem>>)
      %dma_wait3A_35 = tpu.memref_slice %arg2[%add3A_18] : memref<8192xi32, #tpu.memory_space<hbm>> -> memref<64xi32, #tpu.memory_space<hbm>>
      %dma_wait3A_36 = tpu.memref_slice %arg2[%add3A_18] : memref<8192xi32, #tpu.memory_space<hbm>> -> memref<64xi32, #tpu.memory_space<hbm>>
      tpu.wait_dma2 semaphore(%run_scoped3A : memref<!tpu.dma_semaphore, #tpu.memory_space<semaphore_mem>>) src(%dma_wait3A_36 : memref<64xi32, #tpu.memory_space<hbm>>) dst(%arg5 : memref<64xi32, #tpu.memory_space<vmem>>)
      tpu.yield
    }) : () -> ()
    "tpu.region"() ({
      %run_scoped3A = tpu.sem_alloc : memref<!tpu.dma_semaphore, #tpu.memory_space<semaphore_mem>>
      %dma_start3A_33 = arith.constant 0 : i32
      %dma_start3A_34 = tpu.memref_slice %arg3[%add3A_18, %dma_start3A_33] : memref<8192x768xf32, #tpu.memory_space<hbm>> -> memref<64x768xf32, #tpu.memory_space<hbm>>
      %dma_start3A_35 = arith.constant 0 : i32
      %dma_start3A_36 = tpu.memref_slice %arg3[%add3A_18, %dma_start3A_35] : memref<8192x768xf32, #tpu.memory_space<hbm>> -> memref<64x768xf32, #tpu.memory_space<hbm>>
      tpu.enqueue_dma source(%dma_start3A_36 : memref<64x768xf32, #tpu.memory_space<hbm>>) target(%arg6 : memref<64x768xf32, #tpu.memory_space<vmem>>) target_semaphore(%run_scoped3A : memref<!tpu.dma_semaphore, #tpu.memory_space<semaphore_mem>>)
      %dma_wait3A_37 = arith.constant 0 : i32
      %dma_wait3A_38 = tpu.memref_slice %arg3[%add3A_18, %dma_wait3A_37] : memref<8192x768xf32, #tpu.memory_space<hbm>> -> memref<64x768xf32, #tpu.memory_space<hbm>>
      %dma_wait3A_39 = arith.constant 0 : i32
      %dma_wait3A_40 = tpu.memref_slice %arg3[%add3A_18, %dma_wait3A_39] : memref<8192x768xf32, #tpu.memory_space<hbm>> -> memref<64x768xf32, #tpu.memory_space<hbm>>
      tpu.wait_dma2 semaphore(%run_scoped3A : memref<!tpu.dma_semaphore, #tpu.memory_space<semaphore_mem>>) src(%dma_wait3A_40 : memref<64x768xf32, #tpu.memory_space<hbm>>) dst(%arg6 : memref<64x768xf32, #tpu.memory_space<vmem>>)
      tpu.yield
    }) : () -> ()
    %dma_start3A_19 = arith.constant 0 : i32
    %dma_start3A_20 = arith.constant 0 : i32
    %dma_start3A_21 = tpu.memref_slice %arg4[%dma_start3A_19, %dma_start3A_20] : memref<8192x768xf32, #tpu.memory_space<hbm>> -> memref<8192x768xf32, #tpu.memory_space<hbm>>
    tpu.enqueue_indirect_dma source(%arg6 : memref<64x768xf32, #tpu.memory_space<vmem>>) target(%dma_start3A_21 : memref<8192x768xf32, #tpu.memory_space<hbm>>) offsets(%arg5 : memref<64xi32, #tpu.memory_space<vmem>>) semaphore(%arg7 : memref<!tpu.dma_semaphore, #tpu.memory_space<semaphore_mem>>)
    %dma_wait3A_22 = arith.constant 0 : i32
    %dma_wait3A_23 = arith.constant 0 : i32
    %dma_wait3A_24 = tpu.memref_slice %arg4[%dma_wait3A_22, %dma_wait3A_23] : memref<8192x768xf32, #tpu.memory_space<hbm>> -> memref<8192x768xf32, #tpu.memory_space<hbm>>
    tpu.wait_indirect_dma semaphore(%arg7 : memref<!tpu.dma_semaphore, #tpu.memory_space<semaphore_mem>>) src(%arg6 : memref<64x768xf32, #tpu.memory_space<vmem>>) dst(%dma_wait3A_24 : memref<8192x768xf32, #tpu.memory_space<hbm>>)
    %add3A_25 = arith.constant 192 : i32
    %add3A_26 = arith.addi %mul3A_2, %add3A_25 : i32
    "tpu.region"() ({
      %run_scoped3A = tpu.sem_alloc : memref<!tpu.dma_semaphore, #tpu.memory_space<semaphore_mem>>
      %dma_start3A_33 = tpu.memref_slice %arg2[%add3A_26] : memref<8192xi32, #tpu.memory_space<hbm>> -> memref<64xi32, #tpu.memory_space<hbm>>
      %dma_start3A_34 = tpu.memref_slice %arg2[%add3A_26] : memref<8192xi32, #tpu.memory_space<hbm>> -> memref<64xi32, #tpu.memory_space<hbm>>
      tpu.enqueue_dma source(%dma_start3A_34 : memref<64xi32, #tpu.memory_space<hbm>>) target(%arg5 : memref<64xi32, #tpu.memory_space<vmem>>) target_semaphore(%run_scoped3A : memref<!tpu.dma_semaphore, #tpu.memory_space<semaphore_mem>>)
      %dma_wait3A_35 = tpu.memref_slice %arg2[%add3A_26] : memref<8192xi32, #tpu.memory_space<hbm>> -> memref<64xi32, #tpu.memory_space<hbm>>
      %dma_wait3A_36 = tpu.memref_slice %arg2[%add3A_26] : memref<8192xi32, #tpu.memory_space<hbm>> -> memref<64xi32, #tpu.memory_space<hbm>>
      tpu.wait_dma2 semaphore(%run_scoped3A : memref<!tpu.dma_semaphore, #tpu.memory_space<semaphore_mem>>) src(%dma_wait3A_36 : memref<64xi32, #tpu.memory_space<hbm>>) dst(%arg5 : memref<64xi32, #tpu.memory_space<vmem>>)
      tpu.yield
    }) : () -> ()
    "tpu.region"() ({
      %run_scoped3A = tpu.sem_alloc : memref<!tpu.dma_semaphore, #tpu.memory_space<semaphore_mem>>
      %dma_start3A_33 = arith.constant 0 : i32
      %dma_start3A_34 = tpu.memref_slice %arg3[%add3A_26, %dma_start3A_33] : memref<8192x768xf32, #tpu.memory_space<hbm>> -> memref<64x768xf32, #tpu.memory_space<hbm>>
      %dma_start3A_35 = arith.constant 0 : i32
      %dma_start3A_36 = tpu.memref_slice %arg3[%add3A_26, %dma_start3A_35] : memref<8192x768xf32, #tpu.memory_space<hbm>> -> memref<64x768xf32, #tpu.memory_space<hbm>>
      tpu.enqueue_dma source(%dma_start3A_36 : memref<64x768xf32, #tpu.memory_space<hbm>>) target(%arg6 : memref<64x768xf32, #tpu.memory_space<vmem>>) target_semaphore(%run_scoped3A : memref<!tpu.dma_semaphore, #tpu.memory_space<semaphore_mem>>)
      %dma_wait3A_37 = arith.constant 0 : i32
      %dma_wait3A_38 = tpu.memref_slice %arg3[%add3A_26, %dma_wait3A_37] : memref<8192x768xf32, #tpu.memory_space<hbm>> -> memref<64x768xf32, #tpu.memory_space<hbm>>
      %dma_wait3A_39 = arith.constant 0 : i32
      %dma_wait3A_40 = tpu.memref_slice %arg3[%add3A_26, %dma_wait3A_39] : memref<8192x768xf32, #tpu.memory_space<hbm>> -> memref<64x768xf32, #tpu.memory_space<hbm>>
      tpu.wait_dma2 semaphore(%run_scoped3A : memref<!tpu.dma_semaphore, #tpu.memory_space<semaphore_mem>>) src(%dma_wait3A_40 : memref<64x768xf32, #tpu.memory_space<hbm>>) dst(%arg6 : memref<64x768xf32, #tpu.memory_space<vmem>>)
      tpu.yield
    }) : () -> ()
    %dma_start3A_27 = arith.constant 0 : i32
    %dma_start3A_28 = arith.constant 0 : i32
    %dma_start3A_29 = tpu.memref_slice %arg4[%dma_start3A_27, %dma_start3A_28] : memref<8192x768xf32, #tpu.memory_space<hbm>> -> memref<8192x768xf32, #tpu.memory_space<hbm>>
    tpu.enqueue_indirect_dma source(%arg6 : memref<64x768xf32, #tpu.memory_space<vmem>>) target(%dma_start3A_29 : memref<8192x768xf32, #tpu.memory_space<hbm>>) offsets(%arg5 : memref<64xi32, #tpu.memory_space<vmem>>) semaphore(%arg7 : memref<!tpu.dma_semaphore, #tpu.memory_space<semaphore_mem>>)
    %dma_wait3A_30 = arith.constant 0 : i32
    %dma_wait3A_31 = arith.constant 0 : i32
    %dma_wait3A_32 = tpu.memref_slice %arg4[%dma_wait3A_30, %dma_wait3A_31] : memref<8192x768xf32, #tpu.memory_space<hbm>> -> memref<8192x768xf32, #tpu.memory_space<hbm>>
    tpu.wait_indirect_dma semaphore(%arg7 : memref<!tpu.dma_semaphore, #tpu.memory_space<semaphore_mem>>) src(%arg6 : memref<64x768xf32, #tpu.memory_space<vmem>>) dst(%dma_wait3A_32 : memref<8192x768xf32, #tpu.memory_space<hbm>>)
    return
  }
}

#map = affine_map<(d0, d1) -> (0)>
#map1 = affine_map<(d0, d1) -> (0, 0)>
module attributes {stable_mosaic.version = 14 : i64} {
  func.func @_gather(%arg0: i32, %arg1: i32, %arg2: memref<8192xi32, #tpu.memory_space<hbm>>, %arg3: memref<4096x768xf32, #tpu.memory_space<hbm>>, %arg4: memref<8192x768xf32, #tpu.memory_space<hbm>>, %arg5: memref<64xi32, #tpu.memory_space<vmem>>, %arg6: memref<64x768xf32, #tpu.memory_space<vmem>>, %arg7: memref<!tpu.dma_semaphore, #tpu.memory_space<semaphore_mem>>) attributes {dimension_semantics = [#tpu.dimension_semantics<core_parallel>, #tpu.dimension_semantics<subcore_parallel>], iteration_bounds = array<i64: 2, 16>, scalar_prefetch = 0 : i64, scratch_operands = 3 : i64, tpu.core_type = #tpu.core_type<sc_vector_subcore>, window_params = [{transform_indices = #map}, {transform_indices = #map1}, {transform_indices = #map1}]} {
    %mul3A = arith.constant 2 : i32
    %mul3A_0 = arith.muli %arg1, %mul3A : i32
    %add3A = arith.addi %mul3A_0, %arg0 : i32
    %mul3A_1 = arith.constant 256 : i32
    %mul3A_2 = arith.muli %add3A, %mul3A_1 : i32
    %add3A_3 = arith.constant 0 : i32
    %add3A_4 = arith.addi %mul3A_2, %add3A_3 : i32
    "tpu.region"() ({
      %run_scoped3A = tpu.sem_alloc : memref<!tpu.dma_semaphore, #tpu.memory_space<semaphore_mem>>
      %dma_start3A_33 = tpu.memref_slice %arg2[%add3A_4] : memref<8192xi32, #tpu.memory_space<hbm>> -> memref<64xi32, #tpu.memory_space<hbm>>
      %dma_start3A_34 = tpu.memref_slice %arg2[%add3A_4] : memref<8192xi32, #tpu.memory_space<hbm>> -> memref<64xi32, #tpu.memory_space<hbm>>
      tpu.enqueue_dma source(%dma_start3A_34 : memref<64xi32, #tpu.memory_space<hbm>>) target(%arg5 : memref<64xi32, #tpu.memory_space<vmem>>) target_semaphore(%run_scoped3A : memref<!tpu.dma_semaphore, #tpu.memory_space<semaphore_mem>>)
      %dma_wait3A_35 = tpu.memref_slice %arg2[%add3A_4] : memref<8192xi32, #tpu.memory_space<hbm>> -> memref<64xi32, #tpu.memory_space<hbm>>
      %dma_wait3A_36 = tpu.memref_slice %arg2[%add3A_4] : memref<8192xi32, #tpu.memory_space<hbm>> -> memref<64xi32, #tpu.memory_space<hbm>>
      tpu.wait_dma2 semaphore(%run_scoped3A : memref<!tpu.dma_semaphore, #tpu.memory_space<semaphore_mem>>) src(%dma_wait3A_36 : memref<64xi32, #tpu.memory_space<hbm>>) dst(%arg5 : memref<64xi32, #tpu.memory_space<vmem>>)
      tpu.yield
    }) : () -> ()
    %dma_start3A = arith.constant 0 : i32
    %dma_start3A_5 = arith.constant 0 : i32
    %dma_start3A_6 = tpu.memref_slice %arg3[%dma_start3A, %dma_start3A_5] : memref<4096x768xf32, #tpu.memory_space<hbm>> -> memref<4096x768xf32, #tpu.memory_space<hbm>>
    tpu.enqueue_indirect_dma source(%dma_start3A_6 : memref<4096x768xf32, #tpu.memory_space<hbm>>) target(%arg6 : memref<64x768xf32, #tpu.memory_space<vmem>>) offsets(%arg5 : memref<64xi32, #tpu.memory_space<vmem>>) semaphore(%arg7 : memref<!tpu.dma_semaphore, #tpu.memory_space<semaphore_mem>>)
    %dma_wait3A = arith.constant 0 : i32
    %dma_wait3A_7 = arith.constant 0 : i32
    %dma_wait3A_8 = tpu.memref_slice %arg3[%dma_wait3A, %dma_wait3A_7] : memref<4096x768xf32, #tpu.memory_space<hbm>> -> memref<4096x768xf32, #tpu.memory_space<hbm>>
    tpu.wait_indirect_dma semaphore(%arg7 : memref<!tpu.dma_semaphore, #tpu.memory_space<semaphore_mem>>) src(%dma_wait3A_8 : memref<4096x768xf32, #tpu.memory_space<hbm>>) dst(%arg6 : memref<64x768xf32, #tpu.memory_space<vmem>>)
    "tpu.region"() ({
      %run_scoped3A = tpu.sem_alloc : memref<!tpu.dma_semaphore, #tpu.memory_space<semaphore_mem>>
      %dma_start3A_33 = arith.constant 0 : i32
      %dma_start3A_34 = tpu.memref_slice %arg4[%add3A_4, %dma_start3A_33] : memref<8192x768xf32, #tpu.memory_space<hbm>> -> memref<64x768xf32, #tpu.memory_space<hbm>>
      %dma_start3A_35 = arith.constant 0 : i32
      %dma_start3A_36 = tpu.memref_slice %arg4[%add3A_4, %dma_start3A_35] : memref<8192x768xf32, #tpu.memory_space<hbm>> -> memref<64x768xf32, #tpu.memory_space<hbm>>
      tpu.enqueue_dma source(%arg6 : memref<64x768xf32, #tpu.memory_space<vmem>>) target(%dma_start3A_36 : memref<64x768xf32, #tpu.memory_space<hbm>>) target_semaphore(%run_scoped3A : memref<!tpu.dma_semaphore, #tpu.memory_space<semaphore_mem>>)
      %dma_wait3A_37 = arith.constant 0 : i32
      %dma_wait3A_38 = tpu.memref_slice %arg4[%add3A_4, %dma_wait3A_37] : memref<8192x768xf32, #tpu.memory_space<hbm>> -> memref<64x768xf32, #tpu.memory_space<hbm>>
      %dma_wait3A_39 = arith.constant 0 : i32
      %dma_wait3A_40 = tpu.memref_slice %arg4[%add3A_4, %dma_wait3A_39] : memref<8192x768xf32, #tpu.memory_space<hbm>> -> memref<64x768xf32, #tpu.memory_space<hbm>>
      tpu.wait_dma2 semaphore(%run_scoped3A : memref<!tpu.dma_semaphore, #tpu.memory_space<semaphore_mem>>) src(%arg6 : memref<64x768xf32, #tpu.memory_space<vmem>>) dst(%dma_wait3A_40 : memref<64x768xf32, #tpu.memory_space<hbm>>)
      tpu.yield
    }) : () -> ()
    %add3A_9 = arith.constant 64 : i32
    %add3A_10 = arith.addi %mul3A_2, %add3A_9 : i32
    "tpu.region"() ({
      %run_scoped3A = tpu.sem_alloc : memref<!tpu.dma_semaphore, #tpu.memory_space<semaphore_mem>>
      %dma_start3A_33 = tpu.memref_slice %arg2[%add3A_10] : memref<8192xi32, #tpu.memory_space<hbm>> -> memref<64xi32, #tpu.memory_space<hbm>>
      %dma_start3A_34 = tpu.memref_slice %arg2[%add3A_10] : memref<8192xi32, #tpu.memory_space<hbm>> -> memref<64xi32, #tpu.memory_space<hbm>>
      tpu.enqueue_dma source(%dma_start3A_34 : memref<64xi32, #tpu.memory_space<hbm>>) target(%arg5 : memref<64xi32, #tpu.memory_space<vmem>>) target_semaphore(%run_scoped3A : memref<!tpu.dma_semaphore, #tpu.memory_space<semaphore_mem>>)
      %dma_wait3A_35 = tpu.memref_slice %arg2[%add3A_10] : memref<8192xi32, #tpu.memory_space<hbm>> -> memref<64xi32, #tpu.memory_space<hbm>>
      %dma_wait3A_36 = tpu.memref_slice %arg2[%add3A_10] : memref<8192xi32, #tpu.memory_space<hbm>> -> memref<64xi32, #tpu.memory_space<hbm>>
      tpu.wait_dma2 semaphore(%run_scoped3A : memref<!tpu.dma_semaphore, #tpu.memory_space<semaphore_mem>>) src(%dma_wait3A_36 : memref<64xi32, #tpu.memory_space<hbm>>) dst(%arg5 : memref<64xi32, #tpu.memory_space<vmem>>)
      tpu.yield
    }) : () -> ()
    %dma_start3A_11 = arith.constant 0 : i32
    %dma_start3A_12 = arith.constant 0 : i32
    %dma_start3A_13 = tpu.memref_slice %arg3[%dma_start3A_11, %dma_start3A_12] : memref<4096x768xf32, #tpu.memory_space<hbm>> -> memref<4096x768xf32, #tpu.memory_space<hbm>>
    tpu.enqueue_indirect_dma source(%dma_start3A_13 : memref<4096x768xf32, #tpu.memory_space<hbm>>) target(%arg6 : memref<64x768xf32, #tpu.memory_space<vmem>>) offsets(%arg5 : memref<64xi32, #tpu.memory_space<vmem>>) semaphore(%arg7 : memref<!tpu.dma_semaphore, #tpu.memory_space<semaphore_mem>>)
    %dma_wait3A_14 = arith.constant 0 : i32
    %dma_wait3A_15 = arith.constant 0 : i32
    %dma_wait3A_16 = tpu.memref_slice %arg3[%dma_wait3A_14, %dma_wait3A_15] : memref<4096x768xf32, #tpu.memory_space<hbm>> -> memref<4096x768xf32, #tpu.memory_space<hbm>>
    tpu.wait_indirect_dma semaphore(%arg7 : memref<!tpu.dma_semaphore, #tpu.memory_space<semaphore_mem>>) src(%dma_wait3A_16 : memref<4096x768xf32, #tpu.memory_space<hbm>>) dst(%arg6 : memref<64x768xf32, #tpu.memory_space<vmem>>)
    "tpu.region"() ({
      %run_scoped3A = tpu.sem_alloc : memref<!tpu.dma_semaphore, #tpu.memory_space<semaphore_mem>>
      %dma_start3A_33 = arith.constant 0 : i32
      %dma_start3A_34 = tpu.memref_slice %arg4[%add3A_10, %dma_start3A_33] : memref<8192x768xf32, #tpu.memory_space<hbm>> -> memref<64x768xf32, #tpu.memory_space<hbm>>
      %dma_start3A_35 = arith.constant 0 : i32
      %dma_start3A_36 = tpu.memref_slice %arg4[%add3A_10, %dma_start3A_35] : memref<8192x768xf32, #tpu.memory_space<hbm>> -> memref<64x768xf32, #tpu.memory_space<hbm>>
      tpu.enqueue_dma source(%arg6 : memref<64x768xf32, #tpu.memory_space<vmem>>) target(%dma_start3A_36 : memref<64x768xf32, #tpu.memory_space<hbm>>) target_semaphore(%run_scoped3A : memref<!tpu.dma_semaphore, #tpu.memory_space<semaphore_mem>>)
      %dma_wait3A_37 = arith.constant 0 : i32
      %dma_wait3A_38 = tpu.memref_slice %arg4[%add3A_10, %dma_wait3A_37] : memref<8192x768xf32, #tpu.memory_space<hbm>> -> memref<64x768xf32, #tpu.memory_space<hbm>>
      %dma_wait3A_39 = arith.constant 0 : i32
      %dma_wait3A_40 = tpu.memref_slice %arg4[%add3A_10, %dma_wait3A_39] : memref<8192x768xf32, #tpu.memory_space<hbm>> -> memref<64x768xf32, #tpu.memory_space<hbm>>
      tpu.wait_dma2 semaphore(%run_scoped3A : memref<!tpu.dma_semaphore, #tpu.memory_space<semaphore_mem>>) src(%arg6 : memref<64x768xf32, #tpu.memory_space<vmem>>) dst(%dma_wait3A_40 : memref<64x768xf32, #tpu.memory_space<hbm>>)
      tpu.yield
    }) : () -> ()
    %add3A_17 = arith.constant 128 : i32
    %add3A_18 = arith.addi %mul3A_2, %add3A_17 : i32
    "tpu.region"() ({
      %run_scoped3A = tpu.sem_alloc : memref<!tpu.dma_semaphore, #tpu.memory_space<semaphore_mem>>
      %dma_start3A_33 = tpu.memref_slice %arg2[%add3A_18] : memref<8192xi32, #tpu.memory_space<hbm>> -> memref<64xi32, #tpu.memory_space<hbm>>
      %dma_start3A_34 = tpu.memref_slice %arg2[%add3A_18] : memref<8192xi32, #tpu.memory_space<hbm>> -> memref<64xi32, #tpu.memory_space<hbm>>
      tpu.enqueue_dma source(%dma_start3A_34 : memref<64xi32, #tpu.memory_space<hbm>>) target(%arg5 : memref<64xi32, #tpu.memory_space<vmem>>) target_semaphore(%run_scoped3A : memref<!tpu.dma_semaphore, #tpu.memory_space<semaphore_mem>>)
      %dma_wait3A_35 = tpu.memref_slice %arg2[%add3A_18] : memref<8192xi32, #tpu.memory_space<hbm>> -> memref<64xi32, #tpu.memory_space<hbm>>
      %dma_wait3A_36 = tpu.memref_slice %arg2[%add3A_18] : memref<8192xi32, #tpu.memory_space<hbm>> -> memref<64xi32, #tpu.memory_space<hbm>>
      tpu.wait_dma2 semaphore(%run_scoped3A : memref<!tpu.dma_semaphore, #tpu.memory_space<semaphore_mem>>) src(%dma_wait3A_36 : memref<64xi32, #tpu.memory_space<hbm>>) dst(%arg5 : memref<64xi32, #tpu.memory_space<vmem>>)
      tpu.yield
    }) : () -> ()
    %dma_start3A_19 = arith.constant 0 : i32
    %dma_start3A_20 = arith.constant 0 : i32
    %dma_start3A_21 = tpu.memref_slice %arg3[%dma_start3A_19, %dma_start3A_20] : memref<4096x768xf32, #tpu.memory_space<hbm>> -> memref<4096x768xf32, #tpu.memory_space<hbm>>
    tpu.enqueue_indirect_dma source(%dma_start3A_21 : memref<4096x768xf32, #tpu.memory_space<hbm>>) target(%arg6 : memref<64x768xf32, #tpu.memory_space<vmem>>) offsets(%arg5 : memref<64xi32, #tpu.memory_space<vmem>>) semaphore(%arg7 : memref<!tpu.dma_semaphore, #tpu.memory_space<semaphore_mem>>)
    %dma_wait3A_22 = arith.constant 0 : i32
    %dma_wait3A_23 = arith.constant 0 : i32
    %dma_wait3A_24 = tpu.memref_slice %arg3[%dma_wait3A_22, %dma_wait3A_23] : memref<4096x768xf32, #tpu.memory_space<hbm>> -> memref<4096x768xf32, #tpu.memory_space<hbm>>
    tpu.wait_indirect_dma semaphore(%arg7 : memref<!tpu.dma_semaphore, #tpu.memory_space<semaphore_mem>>) src(%dma_wait3A_24 : memref<4096x768xf32, #tpu.memory_space<hbm>>) dst(%arg6 : memref<64x768xf32, #tpu.memory_space<vmem>>)
    "tpu.region"() ({
      %run_scoped3A = tpu.sem_alloc : memref<!tpu.dma_semaphore, #tpu.memory_space<semaphore_mem>>
      %dma_start3A_33 = arith.constant 0 : i32
      %dma_start3A_34 = tpu.memref_slice %arg4[%add3A_18, %dma_start3A_33] : memref<8192x768xf32, #tpu.memory_space<hbm>> -> memref<64x768xf32, #tpu.memory_space<hbm>>
      %dma_start3A_35 = arith.constant 0 : i32
      %dma_start3A_36 = tpu.memref_slice %arg4[%add3A_18, %dma_start3A_35] : memref<8192x768xf32, #tpu.memory_space<hbm>> -> memref<64x768xf32, #tpu.memory_space<hbm>>
      tpu.enqueue_dma source(%arg6 : memref<64x768xf32, #tpu.memory_space<vmem>>) target(%dma_start3A_36 : memref<64x768xf32, #tpu.memory_space<hbm>>) target_semaphore(%run_scoped3A : memref<!tpu.dma_semaphore, #tpu.memory_space<semaphore_mem>>)
      %dma_wait3A_37 = arith.constant 0 : i32
      %dma_wait3A_38 = tpu.memref_slice %arg4[%add3A_18, %dma_wait3A_37] : memref<8192x768xf32, #tpu.memory_space<hbm>> -> memref<64x768xf32, #tpu.memory_space<hbm>>
      %dma_wait3A_39 = arith.constant 0 : i32
      %dma_wait3A_40 = tpu.memref_slice %arg4[%add3A_18, %dma_wait3A_39] : memref<8192x768xf32, #tpu.memory_space<hbm>> -> memref<64x768xf32, #tpu.memory_space<hbm>>
      tpu.wait_dma2 semaphore(%run_scoped3A : memref<!tpu.dma_semaphore, #tpu.memory_space<semaphore_mem>>) src(%arg6 : memref<64x768xf32, #tpu.memory_space<vmem>>) dst(%dma_wait3A_40 : memref<64x768xf32, #tpu.memory_space<hbm>>)
      tpu.yield
    }) : () -> ()
    %add3A_25 = arith.constant 192 : i32
    %add3A_26 = arith.addi %mul3A_2, %add3A_25 : i32
    "tpu.region"() ({
      %run_scoped3A = tpu.sem_alloc : memref<!tpu.dma_semaphore, #tpu.memory_space<semaphore_mem>>
      %dma_start3A_33 = tpu.memref_slice %arg2[%add3A_26] : memref<8192xi32, #tpu.memory_space<hbm>> -> memref<64xi32, #tpu.memory_space<hbm>>
      %dma_start3A_34 = tpu.memref_slice %arg2[%add3A_26] : memref<8192xi32, #tpu.memory_space<hbm>> -> memref<64xi32, #tpu.memory_space<hbm>>
      tpu.enqueue_dma source(%dma_start3A_34 : memref<64xi32, #tpu.memory_space<hbm>>) target(%arg5 : memref<64xi32, #tpu.memory_space<vmem>>) target_semaphore(%run_scoped3A : memref<!tpu.dma_semaphore, #tpu.memory_space<semaphore_mem>>)
      %dma_wait3A_35 = tpu.memref_slice %arg2[%add3A_26] : memref<8192xi32, #tpu.memory_space<hbm>> -> memref<64xi32, #tpu.memory_space<hbm>>
      %dma_wait3A_36 = tpu.memref_slice %arg2[%add3A_26] : memref<8192xi32, #tpu.memory_space<hbm>> -> memref<64xi32, #tpu.memory_space<hbm>>
      tpu.wait_dma2 semaphore(%run_scoped3A : memref<!tpu.dma_semaphore, #tpu.memory_space<semaphore_mem>>) src(%dma_wait3A_36 : memref<64xi32, #tpu.memory_space<hbm>>) dst(%arg5 : memref<64xi32, #tpu.memory_space<vmem>>)
      tpu.yield
    }) : () -> ()
    %dma_start3A_27 = arith.constant 0 : i32
    %dma_start3A_28 = arith.constant 0 : i32
    %dma_start3A_29 = tpu.memref_slice %arg3[%dma_start3A_27, %dma_start3A_28] : memref<4096x768xf32, #tpu.memory_space<hbm>> -> memref<4096x768xf32, #tpu.memory_space<hbm>>
    tpu.enqueue_indirect_dma source(%dma_start3A_29 : memref<4096x768xf32, #tpu.memory_space<hbm>>) target(%arg6 : memref<64x768xf32, #tpu.memory_space<vmem>>) offsets(%arg5 : memref<64xi32, #tpu.memory_space<vmem>>) semaphore(%arg7 : memref<!tpu.dma_semaphore, #tpu.memory_space<semaphore_mem>>)
    %dma_wait3A_30 = arith.constant 0 : i32
    %dma_wait3A_31 = arith.constant 0 : i32
    %dma_wait3A_32 = tpu.memref_slice %arg3[%dma_wait3A_30, %dma_wait3A_31] : memref<4096x768xf32, #tpu.memory_space<hbm>> -> memref<4096x768xf32, #tpu.memory_space<hbm>>
    tpu.wait_indirect_dma semaphore(%arg7 : memref<!tpu.dma_semaphore, #tpu.memory_space<semaphore_mem>>) src(%dma_wait3A_32 : memref<4096x768xf32, #tpu.memory_space<hbm>>) dst(%arg6 : memref<64x768xf32, #tpu.memory_space<vmem>>)
    "tpu.region"() ({
      %run_scoped3A = tpu.sem_alloc : memref<!tpu.dma_semaphore, #tpu.memory_space<semaphore_mem>>
      %dma_start3A_33 = arith.constant 0 : i32
      %dma_start3A_34 = tpu.memref_slice %arg4[%add3A_26, %dma_start3A_33] : memref<8192x768xf32, #tpu.memory_space<hbm>> -> memref<64x768xf32, #tpu.memory_space<hbm>>
      %dma_start3A_35 = arith.constant 0 : i32
      %dma_start3A_36 = tpu.memref_slice %arg4[%add3A_26, %dma_start3A_35] : memref<8192x768xf32, #tpu.memory_space<hbm>> -> memref<64x768xf32, #tpu.memory_space<hbm>>
      tpu.enqueue_dma source(%arg6 : memref<64x768xf32, #tpu.memory_space<vmem>>) target(%dma_start3A_36 : memref<64x768xf32, #tpu.memory_space<hbm>>) target_semaphore(%run_scoped3A : memref<!tpu.dma_semaphore, #tpu.memory_space<semaphore_mem>>)
      %dma_wait3A_37 = arith.constant 0 : i32
      %dma_wait3A_38 = tpu.memref_slice %arg4[%add3A_26, %dma_wait3A_37] : memref<8192x768xf32, #tpu.memory_space<hbm>> -> memref<64x768xf32, #tpu.memory_space<hbm>>
      %dma_wait3A_39 = arith.constant 0 : i32
      %dma_wait3A_40 = tpu.memref_slice %arg4[%add3A_26, %dma_wait3A_39] : memref<8192x768xf32, #tpu.memory_space<hbm>> -> memref<64x768xf32, #tpu.memory_space<hbm>>
      tpu.wait_dma2 semaphore(%run_scoped3A : memref<!tpu.dma_semaphore, #tpu.memory_space<semaphore_mem>>) src(%arg6 : memref<64x768xf32, #tpu.memory_space<vmem>>) dst(%dma_wait3A_40 : memref<64x768xf32, #tpu.memory_space<hbm>>)
      tpu.yield
    }) : () -> ()
    return
  }
}

module attributes {stable_mosaic.version = 14 : i64} {
  func.func @_mm_body(%arg0: i32, %arg1: memref<1x1x1024xi32, #tpu.memory_space<vmem>>, %arg2: memref<1024x768xf32, #tpu.memory_space<vmem>>, %arg3: memref<8x768x768xbf16, #tpu.memory_space<vmem>>, %arg4: memref<1024x768xf32, #tpu.memory_space<vmem>>) attributes {dimension_semantics = [#tpu.dimension_semantics<arbitrary>], iteration_bounds = array<i64: 8>, scalar_prefetch = 0 : i64, scratch_operands = 0 : i64, tpu.core_type = #tpu.core_type<tc>, window_params = [{transform_indices = @transform_0, window_bounds = array<i64: 1, 1, 1024>}, {transform_indices = @transform_1, window_bounds = array<i64: 1024, 768>}, {pipeline_mode = #tpu.pipeline_mode<synchronous>, transform_indices = @transform_2, window_bounds = array<i64: 8, 768, 768>}, {transform_indices = @transform_3, window_bounds = array<i64: 1024, 768>}]} {
    %get3A = arith.constant 0 : index
    %get3A_0 = arith.constant 0 : index
    %get3A_1 = arith.constant 0 : index
    %get3A_2 = vector.load %arg1[%get3A, %get3A_0, %get3A_1] : memref<1x1x1024xi32, #tpu.memory_space<vmem>>, vector<1x1x1xi32>
    %get3A_3 = vector.extract %get3A_2[0, 0, 0] : i32 from vector<1x1x1xi32>
    %get3A_4 = arith.constant 0 : index
    %get3A_5 = arith.constant 0 : index
    %get3A_6 = arith.constant 1023 : index
    %get3A_7 = vector.load %arg1[%get3A_4, %get3A_5, %get3A_6] : memref<1x1x1024xi32, #tpu.memory_space<vmem>>, vector<1x1x1xi32>
    %get3A_8 = vector.extract %get3A_7[0, 0, 0] : i32 from vector<1x1x1xi32>
    %broadcast_in_dim3A = arith.constant 0.000000e+00 : f32
    %broadcast_in_dim3A_9 = vector.broadcast %broadcast_in_dim3A : f32 to vector<1024x768xf32>
    %swap3A = arith.constant 0 : index
    %swap3A_10 = arith.constant 0 : index
    %swap3A_11 = vector.load %arg4[%swap3A, %swap3A_10] : memref<1024x768xf32, #tpu.memory_space<vmem>>, vector<1024x768xf32>
    tpu.vector_store %arg4[%swap3A, %swap3A_10], %broadcast_in_dim3A_9 {strides = array<i32>} : memref<1024x768xf32, #tpu.memory_space<vmem>>, vector<1024x768xf32>,
    %get3A_12 = arith.constant 0 : index
    %get3A_13 = arith.constant 0 : index
    %get3A_14 = arith.constant 0 : index
    %get3A_15 = vector.load %arg1[%get3A_12, %get3A_13, %get3A_14] : memref<1x1x1024xi32, #tpu.memory_space<vmem>>, vector<1x1x1024xi32>
    %get3A_16 = vector.shape_cast %get3A_15 : vector<1x1x1024xi32> to vector<1x1024xi32>
    %iota3A = tpu.iota {dimensions = array<i32: 0>} : vector<1024x1xi32>
    %le3A = arith.constant 0 : i32
    %le3A_17 = arith.cmpi sle, %get3A_3, %le3A : i32
    %ge3A = arith.constant 0 : i32
    %ge3A_18 = arith.cmpi sge, %get3A_8, %ge3A : i32
    %and3A = arith.andi %le3A_17, %ge3A_18 : i1
    %convert_element_type3A = arith.extui %and3A : i1 to i32
    %cond3A = arith.constant 0 : i32
    %cond3A_19 = arith.cmpi ne, %convert_element_type3A, %cond3A : i32
    scf.if %cond3A_19 {
      %lt3A = arith.constant 0 : i32
      %lt3A_76 = vector.broadcast %lt3A : i32 to vector<1x1024xi32>
      %lt3A_77 = arith.cmpi slt, %get3A_16, %lt3A_76 : vector<1x1024xi32>
      %convert_element_type3A_78 = arith.extui %lt3A_77 : vector<1x1024xi1> to vector<1x1024xi32>
      %reduce_sum3A = vector.shape_cast %convert_element_type3A_78 : vector<1x1024xi32> to vector<1x1x1024xi32>
      %reduce_sum3A_79 = arith.constant dense<0> : vector<1xi32>
      %reduce_sum3A_80 = vector.multi_reduction <add>, %reduce_sum3A, %reduce_sum3A_79 [1, 2] : vector<1x1x1024xi32> to vector<1xi32>
      %reduce_sum3A_81 = vector.shape_cast %reduce_sum3A_80 : vector<1xi32> to vector<1x1x1xi32>
      %reduce_sum3A_82 = vector.extract %reduce_sum3A_81[0, 0, 0] : i32 from vector<1x1x1xi32>
      %le3A_83 = arith.constant 0 : i32
      %le3A_84 = vector.broadcast %le3A_83 : i32 to vector<1x1024xi32>
      %le3A_85 = arith.cmpi sle, %get3A_16, %le3A_84 : vector<1x1024xi32>
      %convert_element_type3A_86 = arith.extui %le3A_85 : vector<1x1024xi1> to vector<1x1024xi32>
      %reduce_sum3A_87 = vector.shape_cast %convert_element_type3A_86 : vector<1x1024xi32> to vector<1x1x1024xi32>
      %reduce_sum3A_88 = arith.constant dense<0> : vector<1xi32>
      %reduce_sum3A_89 = vector.multi_reduction <add>, %reduce_sum3A_87, %reduce_sum3A_88 [1, 2] : vector<1x1x1024xi32> to vector<1xi32>
      %reduce_sum3A_90 = vector.shape_cast %reduce_sum3A_89 : vector<1xi32> to vector<1x1x1xi32>
      %reduce_sum3A_91 = vector.extract %reduce_sum3A_90[0, 0, 0] : i32 from vector<1x1x1xi32>
      %ge3A_92 = vector.broadcast %reduce_sum3A_82 : i32 to vector<1024x1xi32>
      %ge3A_93 = arith.cmpi sge, %iota3A, %ge3A_92 : vector<1024x1xi32>
      %lt3A_94 = vector.broadcast %reduce_sum3A_91 : i32 to vector<1024x1xi32>
      %lt3A_95 = arith.cmpi slt, %iota3A, %lt3A_94 : vector<1024x1xi32>
      %and3A_96 = arith.andi %ge3A_93, %lt3A_95 : vector<1024x1xi1>
      %get3A_97 = arith.constant 0 : index
      %get3A_98 = arith.constant 0 : index
      %get3A_99 = vector.load %arg2[%get3A_97, %get3A_98] : memref<1024x768xf32, #tpu.memory_space<vmem>>, vector<1024x768xf32>
      %jit3A = arith.constant 0.000000e+00 : f32
      %broadcast_in_dim3A_100 = vector.shape_cast %and3A_96 : vector<1024x1xi1> to vector<1024x1xi1>
      %broadcast_in_dim3A_101 = vector.broadcast %broadcast_in_dim3A_100 : vector<1024x1xi1> to vector<1024x768xi1>
      %broadcast_in_dim3A_102 = vector.broadcast %jit3A : f32 to vector<1024x768xf32>
      %select_n3A = arith.select %broadcast_in_dim3A_101, %get3A_99, %broadcast_in_dim3A_102 : vector<1024x768xi1>, vector<1024x768xf32>
      %convert_element_type3A_103 = arith.truncf %select_n3A : vector<1024x768xf32> to vector<1024x768xbf16>
      %get3A_104 = arith.constant 0 : index
      %get3A_105 = arith.constant 0 : index
      %get3A_106 = vector.load %arg4[%get3A_104, %get3A_105] : memref<1024x768xf32, #tpu.memory_space<vmem>>, vector<1024x768xf32>
      %get3A_107 = arith.constant 0 : index
      %get3A_108 = arith.constant 0 : index
      %get3A_109 = arith.constant 0 : index
      %get3A_110 = vector.load %arg3[%get3A_107, %get3A_108, %get3A_109] : memref<8x768x768xbf16, #tpu.memory_space<vmem>>, vector<1x768x768xbf16>
      %get3A_111 = vector.shape_cast %get3A_110 : vector<1x768x768xbf16> to vector<768x768xbf16>
      %dot_general3A = arith.constant dense<0.000000e+00> : vector<1024x768xf32>
      %dot_general3A_112 = tpu.matmul %convert_element_type3A_103, %get3A_111, %dot_general3A {dimension_numbers = #tpu.dot_dimension_numbers<[1], [0], [0], [1], [0, 0, 1, 1], [], []>, transpose_lhs_hint = false} : vector<1024x768xbf16>, vector<768x768xbf16>, vector<1024x768xf32> -> vector<1024x768xf32>
      %add3A = arith.addf %get3A_106, %dot_general3A_112 : vector<1024x768xf32>
      %swap3A_113 = arith.constant 0 : index
      %swap3A_114 = arith.constant 0 : index
      %swap3A_115 = vector.load %arg4[%swap3A_113, %swap3A_114] : memref<1024x768xf32, #tpu.memory_space<vmem>>, vector<1024x768xf32>
      tpu.vector_store %arg4[%swap3A_113, %swap3A_114], %add3A {strides = array<i32>} : memref<1024x768xf32, #tpu.memory_space<vmem>>, vector<1024x768xf32>,
    } else {
    }
    %le3A_20 = arith.constant 1 : i32
    %le3A_21 = arith.cmpi sle, %get3A_3, %le3A_20 : i32
    %ge3A_22 = arith.constant 1 : i32
    %ge3A_23 = arith.cmpi sge, %get3A_8, %ge3A_22 : i32
    %and3A_24 = arith.andi %le3A_21, %ge3A_23 : i1
    %convert_element_type3A_25 = arith.extui %and3A_24 : i1 to i32
    %cond3A_26 = arith.constant 0 : i32
    %cond3A_27 = arith.cmpi ne, %convert_element_type3A_25, %cond3A_26 : i32
    scf.if %cond3A_27 {
      %lt3A = arith.constant 1 : i32
      %lt3A_76 = vector.broadcast %lt3A : i32 to vector<1x1024xi32>
      %lt3A_77 = arith.cmpi slt, %get3A_16, %lt3A_76 : vector<1x1024xi32>
      %convert_element_type3A_78 = arith.extui %lt3A_77 : vector<1x1024xi1> to vector<1x1024xi32>
      %reduce_sum3A = vector.shape_cast %convert_element_type3A_78 : vector<1x1024xi32> to vector<1x1x1024xi32>
      %reduce_sum3A_79 = arith.constant dense<0> : vector<1xi32>
      %reduce_sum3A_80 = vector.multi_reduction <add>, %reduce_sum3A, %reduce_sum3A_79 [1, 2] : vector<1x1x1024xi32> to vector<1xi32>
      %reduce_sum3A_81 = vector.shape_cast %reduce_sum3A_80 : vector<1xi32> to vector<1x1x1xi32>
      %reduce_sum3A_82 = vector.extract %reduce_sum3A_81[0, 0, 0] : i32 from vector<1x1x1xi32>
      %le3A_83 = arith.constant 1 : i32
      %le3A_84 = vector.broadcast %le3A_83 : i32 to vector<1x1024xi32>
      %le3A_85 = arith.cmpi sle, %get3A_16, %le3A_84 : vector<1x1024xi32>
      %convert_element_type3A_86 = arith.extui %le3A_85 : vector<1x1024xi1> to vector<1x1024xi32>
      %reduce_sum3A_87 = vector.shape_cast %convert_element_type3A_86 : vector<1x1024xi32> to vector<1x1x1024xi32>
      %reduce_sum3A_88 = arith.constant dense<0> : vector<1xi32>
      %reduce_sum3A_89 = vector.multi_reduction <add>, %reduce_sum3A_87, %reduce_sum3A_88 [1, 2] : vector<1x1x1024xi32> to vector<1xi32>
      %reduce_sum3A_90 = vector.shape_cast %reduce_sum3A_89 : vector<1xi32> to vector<1x1x1xi32>
      %reduce_sum3A_91 = vector.extract %reduce_sum3A_90[0, 0, 0] : i32 from vector<1x1x1xi32>
      %ge3A_92 = vector.broadcast %reduce_sum3A_82 : i32 to vector<1024x1xi32>
      %ge3A_93 = arith.cmpi sge, %iota3A, %ge3A_92 : vector<1024x1xi32>
      %lt3A_94 = vector.broadcast %reduce_sum3A_91 : i32 to vector<1024x1xi32>
      %lt3A_95 = arith.cmpi slt, %iota3A, %lt3A_94 : vector<1024x1xi32>
      %and3A_96 = arith.andi %ge3A_93, %lt3A_95 : vector<1024x1xi1>
      %get3A_97 = arith.constant 0 : index
      %get3A_98 = arith.constant 0 : index
      %get3A_99 = vector.load %arg2[%get3A_97, %get3A_98] : memref<1024x768xf32, #tpu.memory_space<vmem>>, vector<1024x768xf32>
      %jit3A = arith.constant 0.000000e+00 : f32
      %broadcast_in_dim3A_100 = vector.shape_cast %and3A_96 : vector<1024x1xi1> to vector<1024x1xi1>
      %broadcast_in_dim3A_101 = vector.broadcast %broadcast_in_dim3A_100 : vector<1024x1xi1> to vector<1024x768xi1>
      %broadcast_in_dim3A_102 = vector.broadcast %jit3A : f32 to vector<1024x768xf32>
      %select_n3A = arith.select %broadcast_in_dim3A_101, %get3A_99, %broadcast_in_dim3A_102 : vector<1024x768xi1>, vector<1024x768xf32>
      %convert_element_type3A_103 = arith.truncf %select_n3A : vector<1024x768xf32> to vector<1024x768xbf16>
      %get3A_104 = arith.constant 0 : index
      %get3A_105 = arith.constant 0 : index
      %get3A_106 = vector.load %arg4[%get3A_104, %get3A_105] : memref<1024x768xf32, #tpu.memory_space<vmem>>, vector<1024x768xf32>
      %get3A_107 = arith.constant 1 : index
      %get3A_108 = arith.constant 0 : index
      %get3A_109 = arith.constant 0 : index
      %get3A_110 = vector.load %arg3[%get3A_107, %get3A_108, %get3A_109] : memref<8x768x768xbf16, #tpu.memory_space<vmem>>, vector<1x768x768xbf16>
      %get3A_111 = vector.shape_cast %get3A_110 : vector<1x768x768xbf16> to vector<768x768xbf16>
      %dot_general3A = arith.constant dense<0.000000e+00> : vector<1024x768xf32>
      %dot_general3A_112 = tpu.matmul %convert_element_type3A_103, %get3A_111, %dot_general3A {dimension_numbers = #tpu.dot_dimension_numbers<[1], [0], [0], [1], [0, 0, 1, 1], [], []>, transpose_lhs_hint = false} : vector<1024x768xbf16>, vector<768x768xbf16>, vector<1024x768xf32> -> vector<1024x768xf32>
      %add3A = arith.addf %get3A_106, %dot_general3A_112 : vector<1024x768xf32>
      %swap3A_113 = arith.constant 0 : index
      %swap3A_114 = arith.constant 0 : index
      %swap3A_115 = vector.load %arg4[%swap3A_113, %swap3A_114] : memref<1024x768xf32, #tpu.memory_space<vmem>>, vector<1024x768xf32>
      tpu.vector_store %arg4[%swap3A_113, %swap3A_114], %add3A {strides = array<i32>} : memref<1024x768xf32, #tpu.memory_space<vmem>>, vector<1024x768xf32>,
    } else {
    }
    %le3A_28 = arith.constant 2 : i32
    %le3A_29 = arith.cmpi sle, %get3A_3, %le3A_28 : i32
    %ge3A_30 = arith.constant 2 : i32
    %ge3A_31 = arith.cmpi sge, %get3A_8, %ge3A_30 : i32
    %and3A_32 = arith.andi %le3A_29, %ge3A_31 : i1
    %convert_element_type3A_33 = arith.extui %and3A_32 : i1 to i32
    %cond3A_34 = arith.constant 0 : i32
    %cond3A_35 = arith.cmpi ne, %convert_element_type3A_33, %cond3A_34 : i32
    scf.if %cond3A_35 {
      %lt3A = arith.constant 2 : i32
      %lt3A_76 = vector.broadcast %lt3A : i32 to vector<1x1024xi32>
      %lt3A_77 = arith.cmpi slt, %get3A_16, %lt3A_76 : vector<1x1024xi32>
      %convert_element_type3A_78 = arith.extui %lt3A_77 : vector<1x1024xi1> to vector<1x1024xi32>
      %reduce_sum3A = vector.shape_cast %convert_element_type3A_78 : vector<1x1024xi32> to vector<1x1x1024xi32>
      %reduce_sum3A_79 = arith.constant dense<0> : vector<1xi32>
      %reduce_sum3A_80 = vector.multi_reduction <add>, %reduce_sum3A, %reduce_sum3A_79 [1, 2] : vector<1x1x1024xi32> to vector<1xi32>
      %reduce_sum3A_81 = vector.shape_cast %reduce_sum3A_80 : vector<1xi32> to vector<1x1x1xi32>
      %reduce_sum3A_82 = vector.extract %reduce_sum3A_81[0, 0, 0] : i32 from vector<1x1x1xi32>
      %le3A_83 = arith.constant 2 : i32
      %le3A_84 = vector.broadcast %le3A_83 : i32 to vector<1x1024xi32>
      %le3A_85 = arith.cmpi sle, %get3A_16, %le3A_84 : vector<1x1024xi32>
      %convert_element_type3A_86 = arith.extui %le3A_85 : vector<1x1024xi1> to vector<1x1024xi32>
      %reduce_sum3A_87 = vector.shape_cast %convert_element_type3A_86 : vector<1x1024xi32> to vector<1x1x1024xi32>
      %reduce_sum3A_88 = arith.constant dense<0> : vector<1xi32>
      %reduce_sum3A_89 = vector.multi_reduction <add>, %reduce_sum3A_87, %reduce_sum3A_88 [1, 2] : vector<1x1x1024xi32> to vector<1xi32>
      %reduce_sum3A_90 = vector.shape_cast %reduce_sum3A_89 : vector<1xi32> to vector<1x1x1xi32>
      %reduce_sum3A_91 = vector.extract %reduce_sum3A_90[0, 0, 0] : i32 from vector<1x1x1xi32>
      %ge3A_92 = vector.broadcast %reduce_sum3A_82 : i32 to vector<1024x1xi32>
      %ge3A_93 = arith.cmpi sge, %iota3A, %ge3A_92 : vector<1024x1xi32>
      %lt3A_94 = vector.broadcast %reduce_sum3A_91 : i32 to vector<1024x1xi32>
      %lt3A_95 = arith.cmpi slt, %iota3A, %lt3A_94 : vector<1024x1xi32>
      %and3A_96 = arith.andi %ge3A_93, %lt3A_95 : vector<1024x1xi1>
      %get3A_97 = arith.constant 0 : index
      %get3A_98 = arith.constant 0 : index
      %get3A_99 = vector.load %arg2[%get3A_97, %get3A_98] : memref<1024x768xf32, #tpu.memory_space<vmem>>, vector<1024x768xf32>
      %jit3A = arith.constant 0.000000e+00 : f32
      %broadcast_in_dim3A_100 = vector.shape_cast %and3A_96 : vector<1024x1xi1> to vector<1024x1xi1>
      %broadcast_in_dim3A_101 = vector.broadcast %broadcast_in_dim3A_100 : vector<1024x1xi1> to vector<1024x768xi1>
      %broadcast_in_dim3A_102 = vector.broadcast %jit3A : f32 to vector<1024x768xf32>
      %select_n3A = arith.select %broadcast_in_dim3A_101, %get3A_99, %broadcast_in_dim3A_102 : vector<1024x768xi1>, vector<1024x768xf32>
      %convert_element_type3A_103 = arith.truncf %select_n3A : vector<1024x768xf32> to vector<1024x768xbf16>
      %get3A_104 = arith.constant 0 : index
      %get3A_105 = arith.constant 0 : index
      %get3A_106 = vector.load %arg4[%get3A_104, %get3A_105] : memref<1024x768xf32, #tpu.memory_space<vmem>>, vector<1024x768xf32>
      %get3A_107 = arith.constant 2 : index
      %get3A_108 = arith.constant 0 : index
      %get3A_109 = arith.constant 0 : index
      %get3A_110 = vector.load %arg3[%get3A_107, %get3A_108, %get3A_109] : memref<8x768x768xbf16, #tpu.memory_space<vmem>>, vector<1x768x768xbf16>
      %get3A_111 = vector.shape_cast %get3A_110 : vector<1x768x768xbf16> to vector<768x768xbf16>
      %dot_general3A = arith.constant dense<0.000000e+00> : vector<1024x768xf32>
      %dot_general3A_112 = tpu.matmul %convert_element_type3A_103, %get3A_111, %dot_general3A {dimension_numbers = #tpu.dot_dimension_numbers<[1], [0], [0], [1], [0, 0, 1, 1], [], []>, transpose_lhs_hint = false} : vector<1024x768xbf16>, vector<768x768xbf16>, vector<1024x768xf32> -> vector<1024x768xf32>
      %add3A = arith.addf %get3A_106, %dot_general3A_112 : vector<1024x768xf32>
      %swap3A_113 = arith.constant 0 : index
      %swap3A_114 = arith.constant 0 : index
      %swap3A_115 = vector.load %arg4[%swap3A_113, %swap3A_114] : memref<1024x768xf32, #tpu.memory_space<vmem>>, vector<1024x768xf32>
      tpu.vector_store %arg4[%swap3A_113, %swap3A_114], %add3A {strides = array<i32>} : memref<1024x768xf32, #tpu.memory_space<vmem>>, vector<1024x768xf32>,
    } else {
    }
    %le3A_36 = arith.constant 3 : i32
    %le3A_37 = arith.cmpi sle, %get3A_3, %le3A_36 : i32
    %ge3A_38 = arith.constant 3 : i32
    %ge3A_39 = arith.cmpi sge, %get3A_8, %ge3A_38 : i32
    %and3A_40 = arith.andi %le3A_37, %ge3A_39 : i1
    %convert_element_type3A_41 = arith.extui %and3A_40 : i1 to i32
    %cond3A_42 = arith.constant 0 : i32
    %cond3A_43 = arith.cmpi ne, %convert_element_type3A_41, %cond3A_42 : i32
    scf.if %cond3A_43 {
      %lt3A = arith.constant 3 : i32
      %lt3A_76 = vector.broadcast %lt3A : i32 to vector<1x1024xi32>
      %lt3A_77 = arith.cmpi slt, %get3A_16, %lt3A_76 : vector<1x1024xi32>
      %convert_element_type3A_78 = arith.extui %lt3A_77 : vector<1x1024xi1> to vector<1x1024xi32>
      %reduce_sum3A = vector.shape_cast %convert_element_type3A_78 : vector<1x1024xi32> to vector<1x1x1024xi32>
      %reduce_sum3A_79 = arith.constant dense<0> : vector<1xi32>
      %reduce_sum3A_80 = vector.multi_reduction <add>, %reduce_sum3A, %reduce_sum3A_79 [1, 2] : vector<1x1x1024xi32> to vector<1xi32>
      %reduce_sum3A_81 = vector.shape_cast %reduce_sum3A_80 : vector<1xi32> to vector<1x1x1xi32>
      %reduce_sum3A_82 = vector.extract %reduce_sum3A_81[0, 0, 0] : i32 from vector<1x1x1xi32>
      %le3A_83 = arith.constant 3 : i32
      %le3A_84 = vector.broadcast %le3A_83 : i32 to vector<1x1024xi32>
      %le3A_85 = arith.cmpi sle, %get3A_16, %le3A_84 : vector<1x1024xi32>
      %convert_element_type3A_86 = arith.extui %le3A_85 : vector<1x1024xi1> to vector<1x1024xi32>
      %reduce_sum3A_87 = vector.shape_cast %convert_element_type3A_86 : vector<1x1024xi32> to vector<1x1x1024xi32>
      %reduce_sum3A_88 = arith.constant dense<0> : vector<1xi32>
      %reduce_sum3A_89 = vector.multi_reduction <add>, %reduce_sum3A_87, %reduce_sum3A_88 [1, 2] : vector<1x1x1024xi32> to vector<1xi32>
      %reduce_sum3A_90 = vector.shape_cast %reduce_sum3A_89 : vector<1xi32> to vector<1x1x1xi32>
      %reduce_sum3A_91 = vector.extract %reduce_sum3A_90[0, 0, 0] : i32 from vector<1x1x1xi32>
      %ge3A_92 = vector.broadcast %reduce_sum3A_82 : i32 to vector<1024x1xi32>
      %ge3A_93 = arith.cmpi sge, %iota3A, %ge3A_92 : vector<1024x1xi32>
      %lt3A_94 = vector.broadcast %reduce_sum3A_91 : i32 to vector<1024x1xi32>
      %lt3A_95 = arith.cmpi slt, %iota3A, %lt3A_94 : vector<1024x1xi32>
      %and3A_96 = arith.andi %ge3A_93, %lt3A_95 : vector<1024x1xi1>
      %get3A_97 = arith.constant 0 : index
      %get3A_98 = arith.constant 0 : index
      %get3A_99 = vector.load %arg2[%get3A_97, %get3A_98] : memref<1024x768xf32, #tpu.memory_space<vmem>>, vector<1024x768xf32>
      %jit3A = arith.constant 0.000000e+00 : f32
      %broadcast_in_dim3A_100 = vector.shape_cast %and3A_96 : vector<1024x1xi1> to vector<1024x1xi1>
      %broadcast_in_dim3A_101 = vector.broadcast %broadcast_in_dim3A_100 : vector<1024x1xi1> to vector<1024x768xi1>
      %broadcast_in_dim3A_102 = vector.broadcast %jit3A : f32 to vector<1024x768xf32>
      %select_n3A = arith.select %broadcast_in_dim3A_101, %get3A_99, %broadcast_in_dim3A_102 : vector<1024x768xi1>, vector<1024x768xf32>
      %convert_element_type3A_103 = arith.truncf %select_n3A : vector<1024x768xf32> to vector<1024x768xbf16>
      %get3A_104 = arith.constant 0 : index
      %get3A_105 = arith.constant 0 : index
      %get3A_106 = vector.load %arg4[%get3A_104, %get3A_105] : memref<1024x768xf32, #tpu.memory_space<vmem>>, vector<1024x768xf32>
      %get3A_107 = arith.constant 3 : index
      %get3A_108 = arith.constant 0 : index
      %get3A_109 = arith.constant 0 : index
      %get3A_110 = vector.load %arg3[%get3A_107, %get3A_108, %get3A_109] : memref<8x768x768xbf16, #tpu.memory_space<vmem>>, vector<1x768x768xbf16>
      %get3A_111 = vector.shape_cast %get3A_110 : vector<1x768x768xbf16> to vector<768x768xbf16>
      %dot_general3A = arith.constant dense<0.000000e+00> : vector<1024x768xf32>
      %dot_general3A_112 = tpu.matmul %convert_element_type3A_103, %get3A_111, %dot_general3A {dimension_numbers = #tpu.dot_dimension_numbers<[1], [0], [0], [1], [0, 0, 1, 1], [], []>, transpose_lhs_hint = false} : vector<1024x768xbf16>, vector<768x768xbf16>, vector<1024x768xf32> -> vector<1024x768xf32>
      %add3A = arith.addf %get3A_106, %dot_general3A_112 : vector<1024x768xf32>
      %swap3A_113 = arith.constant 0 : index
      %swap3A_114 = arith.constant 0 : index
      %swap3A_115 = vector.load %arg4[%swap3A_113, %swap3A_114] : memref<1024x768xf32, #tpu.memory_space<vmem>>, vector<1024x768xf32>
      tpu.vector_store %arg4[%swap3A_113, %swap3A_114], %add3A {strides = array<i32>} : memref<1024x768xf32, #tpu.memory_space<vmem>>, vector<1024x768xf32>,
    } else {
    }
    %le3A_44 = arith.constant 4 : i32
    %le3A_45 = arith.cmpi sle, %get3A_3, %le3A_44 : i32
    %ge3A_46 = arith.constant 4 : i32
    %ge3A_47 = arith.cmpi sge, %get3A_8, %ge3A_46 : i32
    %and3A_48 = arith.andi %le3A_45, %ge3A_47 : i1
    %convert_element_type3A_49 = arith.extui %and3A_48 : i1 to i32
    %cond3A_50 = arith.constant 0 : i32
    %cond3A_51 = arith.cmpi ne, %convert_element_type3A_49, %cond3A_50 : i32
    scf.if %cond3A_51 {
      %lt3A = arith.constant 4 : i32
      %lt3A_76 = vector.broadcast %lt3A : i32 to vector<1x1024xi32>
      %lt3A_77 = arith.cmpi slt, %get3A_16, %lt3A_76 : vector<1x1024xi32>
      %convert_element_type3A_78 = arith.extui %lt3A_77 : vector<1x1024xi1> to vector<1x1024xi32>
      %reduce_sum3A = vector.shape_cast %convert_element_type3A_78 : vector<1x1024xi32> to vector<1x1x1024xi32>
      %reduce_sum3A_79 = arith.constant dense<0> : vector<1xi32>
      %reduce_sum3A_80 = vector.multi_reduction <add>, %reduce_sum3A, %reduce_sum3A_79 [1, 2] : vector<1x1x1024xi32> to vector<1xi32>
      %reduce_sum3A_81 = vector.shape_cast %reduce_sum3A_80 : vector<1xi32> to vector<1x1x1xi32>
      %reduce_sum3A_82 = vector.extract %reduce_sum3A_81[0, 0, 0] : i32 from vector<1x1x1xi32>
      %le3A_83 = arith.constant 4 : i32
      %le3A_84 = vector.broadcast %le3A_83 : i32 to vector<1x1024xi32>
      %le3A_85 = arith.cmpi sle, %get3A_16, %le3A_84 : vector<1x1024xi32>
      %convert_element_type3A_86 = arith.extui %le3A_85 : vector<1x1024xi1> to vector<1x1024xi32>
      %reduce_sum3A_87 = vector.shape_cast %convert_element_type3A_86 : vector<1x1024xi32> to vector<1x1x1024xi32>
      %reduce_sum3A_88 = arith.constant dense<0> : vector<1xi32>
      %reduce_sum3A_89 = vector.multi_reduction <add>, %reduce_sum3A_87, %reduce_sum3A_88 [1, 2] : vector<1x1x1024xi32> to vector<1xi32>
      %reduce_sum3A_90 = vector.shape_cast %reduce_sum3A_89 : vector<1xi32> to vector<1x1x1xi32>
      %reduce_sum3A_91 = vector.extract %reduce_sum3A_90[0, 0, 0] : i32 from vector<1x1x1xi32>
      %ge3A_92 = vector.broadcast %reduce_sum3A_82 : i32 to vector<1024x1xi32>
      %ge3A_93 = arith.cmpi sge, %iota3A, %ge3A_92 : vector<1024x1xi32>
      %lt3A_94 = vector.broadcast %reduce_sum3A_91 : i32 to vector<1024x1xi32>
      %lt3A_95 = arith.cmpi slt, %iota3A, %lt3A_94 : vector<1024x1xi32>
      %and3A_96 = arith.andi %ge3A_93, %lt3A_95 : vector<1024x1xi1>
      %get3A_97 = arith.constant 0 : index
      %get3A_98 = arith.constant 0 : index
      %get3A_99 = vector.load %arg2[%get3A_97, %get3A_98] : memref<1024x768xf32, #tpu.memory_space<vmem>>, vector<1024x768xf32>
      %jit3A = arith.constant 0.000000e+00 : f32
      %broadcast_in_dim3A_100 = vector.shape_cast %and3A_96 : vector<1024x1xi1> to vector<1024x1xi1>
      %broadcast_in_dim3A_101 = vector.broadcast %broadcast_in_dim3A_100 : vector<1024x1xi1> to vector<1024x768xi1>
      %broadcast_in_dim3A_102 = vector.broadcast %jit3A : f32 to vector<1024x768xf32>
      %select_n3A = arith.select %broadcast_in_dim3A_101, %get3A_99, %broadcast_in_dim3A_102 : vector<1024x768xi1>, vector<1024x768xf32>
      %convert_element_type3A_103 = arith.truncf %select_n3A : vector<1024x768xf32> to vector<1024x768xbf16>
      %get3A_104 = arith.constant 0 : index
      %get3A_105 = arith.constant 0 : index
      %get3A_106 = vector.load %arg4[%get3A_104, %get3A_105] : memref<1024x768xf32, #tpu.memory_space<vmem>>, vector<1024x768xf32>
      %get3A_107 = arith.constant 4 : index
      %get3A_108 = arith.constant 0 : index
      %get3A_109 = arith.constant 0 : index
      %get3A_110 = vector.load %arg3[%get3A_107, %get3A_108, %get3A_109] : memref<8x768x768xbf16, #tpu.memory_space<vmem>>, vector<1x768x768xbf16>
      %get3A_111 = vector.shape_cast %get3A_110 : vector<1x768x768xbf16> to vector<768x768xbf16>
      %dot_general3A = arith.constant dense<0.000000e+00> : vector<1024x768xf32>
      %dot_general3A_112 = tpu.matmul %convert_element_type3A_103, %get3A_111, %dot_general3A {dimension_numbers = #tpu.dot_dimension_numbers<[1], [0], [0], [1], [0, 0, 1, 1], [], []>, transpose_lhs_hint = false} : vector<1024x768xbf16>, vector<768x768xbf16>, vector<1024x768xf32> -> vector<1024x768xf32>
      %add3A = arith.addf %get3A_106, %dot_general3A_112 : vector<1024x768xf32>
      %swap3A_113 = arith.constant 0 : index
      %swap3A_114 = arith.constant 0 : index
      %swap3A_115 = vector.load %arg4[%swap3A_113, %swap3A_114] : memref<1024x768xf32, #tpu.memory_space<vmem>>, vector<1024x768xf32>
      tpu.vector_store %arg4[%swap3A_113, %swap3A_114], %add3A {strides = array<i32>} : memref<1024x768xf32, #tpu.memory_space<vmem>>, vector<1024x768xf32>,
    } else {
    }
    %le3A_52 = arith.constant 5 : i32
    %le3A_53 = arith.cmpi sle, %get3A_3, %le3A_52 : i32
    %ge3A_54 = arith.constant 5 : i32
    %ge3A_55 = arith.cmpi sge, %get3A_8, %ge3A_54 : i32
    %and3A_56 = arith.andi %le3A_53, %ge3A_55 : i1
    %convert_element_type3A_57 = arith.extui %and3A_56 : i1 to i32
    %cond3A_58 = arith.constant 0 : i32
    %cond3A_59 = arith.cmpi ne, %convert_element_type3A_57, %cond3A_58 : i32
    scf.if %cond3A_59 {
      %lt3A = arith.constant 5 : i32
      %lt3A_76 = vector.broadcast %lt3A : i32 to vector<1x1024xi32>
      %lt3A_77 = arith.cmpi slt, %get3A_16, %lt3A_76 : vector<1x1024xi32>
      %convert_element_type3A_78 = arith.extui %lt3A_77 : vector<1x1024xi1> to vector<1x1024xi32>
      %reduce_sum3A = vector.shape_cast %convert_element_type3A_78 : vector<1x1024xi32> to vector<1x1x1024xi32>
      %reduce_sum3A_79 = arith.constant dense<0> : vector<1xi32>
      %reduce_sum3A_80 = vector.multi_reduction <add>, %reduce_sum3A, %reduce_sum3A_79 [1, 2] : vector<1x1x1024xi32> to vector<1xi32>
      %reduce_sum3A_81 = vector.shape_cast %reduce_sum3A_80 : vector<1xi32> to vector<1x1x1xi32>
      %reduce_sum3A_82 = vector.extract %reduce_sum3A_81[0, 0, 0] : i32 from vector<1x1x1xi32>
      %le3A_83 = arith.constant 5 : i32
      %le3A_84 = vector.broadcast %le3A_83 : i32 to vector<1x1024xi32>
      %le3A_85 = arith.cmpi sle, %get3A_16, %le3A_84 : vector<1x1024xi32>
      %convert_element_type3A_86 = arith.extui %le3A_85 : vector<1x1024xi1> to vector<1x1024xi32>
      %reduce_sum3A_87 = vector.shape_cast %convert_element_type3A_86 : vector<1x1024xi32> to vector<1x1x1024xi32>
      %reduce_sum3A_88 = arith.constant dense<0> : vector<1xi32>
      %reduce_sum3A_89 = vector.multi_reduction <add>, %reduce_sum3A_87, %reduce_sum3A_88 [1, 2] : vector<1x1x1024xi32> to vector<1xi32>
      %reduce_sum3A_90 = vector.shape_cast %reduce_sum3A_89 : vector<1xi32> to vector<1x1x1xi32>
      %reduce_sum3A_91 = vector.extract %reduce_sum3A_90[0, 0, 0] : i32 from vector<1x1x1xi32>
      %ge3A_92 = vector.broadcast %reduce_sum3A_82 : i32 to vector<1024x1xi32>
      %ge3A_93 = arith.cmpi sge, %iota3A, %ge3A_92 : vector<1024x1xi32>
      %lt3A_94 = vector.broadcast %reduce_sum3A_91 : i32 to vector<1024x1xi32>
      %lt3A_95 = arith.cmpi slt, %iota3A, %lt3A_94 : vector<1024x1xi32>
      %and3A_96 = arith.andi %ge3A_93, %lt3A_95 : vector<1024x1xi1>
      %get3A_97 = arith.constant 0 : index
      %get3A_98 = arith.constant 0 : index
      %get3A_99 = vector.load %arg2[%get3A_97, %get3A_98] : memref<1024x768xf32, #tpu.memory_space<vmem>>, vector<1024x768xf32>
      %jit3A = arith.constant 0.000000e+00 : f32
      %broadcast_in_dim3A_100 = vector.shape_cast %and3A_96 : vector<1024x1xi1> to vector<1024x1xi1>
      %broadcast_in_dim3A_101 = vector.broadcast %broadcast_in_dim3A_100 : vector<1024x1xi1> to vector<1024x768xi1>
      %broadcast_in_dim3A_102 = vector.broadcast %jit3A : f32 to vector<1024x768xf32>
      %select_n3A = arith.select %broadcast_in_dim3A_101, %get3A_99, %broadcast_in_dim3A_102 : vector<1024x768xi1>, vector<1024x768xf32>
      %convert_element_type3A_103 = arith.truncf %select_n3A : vector<1024x768xf32> to vector<1024x768xbf16>
      %get3A_104 = arith.constant 0 : index
      %get3A_105 = arith.constant 0 : index
      %get3A_106 = vector.load %arg4[%get3A_104, %get3A_105] : memref<1024x768xf32, #tpu.memory_space<vmem>>, vector<1024x768xf32>
      %get3A_107 = arith.constant 5 : index
      %get3A_108 = arith.constant 0 : index
      %get3A_109 = arith.constant 0 : index
      %get3A_110 = vector.load %arg3[%get3A_107, %get3A_108, %get3A_109] : memref<8x768x768xbf16, #tpu.memory_space<vmem>>, vector<1x768x768xbf16>
      %get3A_111 = vector.shape_cast %get3A_110 : vector<1x768x768xbf16> to vector<768x768xbf16>
      %dot_general3A = arith.constant dense<0.000000e+00> : vector<1024x768xf32>
      %dot_general3A_112 = tpu.matmul %convert_element_type3A_103, %get3A_111, %dot_general3A {dimension_numbers = #tpu.dot_dimension_numbers<[1], [0], [0], [1], [0, 0, 1, 1], [], []>, transpose_lhs_hint = false} : vector<1024x768xbf16>, vector<768x768xbf16>, vector<1024x768xf32> -> vector<1024x768xf32>
      %add3A = arith.addf %get3A_106, %dot_general3A_112 : vector<1024x768xf32>
      %swap3A_113 = arith.constant 0 : index
      %swap3A_114 = arith.constant 0 : index
      %swap3A_115 = vector.load %arg4[%swap3A_113, %swap3A_114] : memref<1024x768xf32, #tpu.memory_space<vmem>>, vector<1024x768xf32>
      tpu.vector_store %arg4[%swap3A_113, %swap3A_114], %add3A {strides = array<i32>} : memref<1024x768xf32, #tpu.memory_space<vmem>>, vector<1024x768xf32>,
    } else {
    }
    %le3A_60 = arith.constant 6 : i32
    %le3A_61 = arith.cmpi sle, %get3A_3, %le3A_60 : i32
    %ge3A_62 = arith.constant 6 : i32
    %ge3A_63 = arith.cmpi sge, %get3A_8, %ge3A_62 : i32
    %and3A_64 = arith.andi %le3A_61, %ge3A_63 : i1
    %convert_element_type3A_65 = arith.extui %and3A_64 : i1 to i32
    %cond3A_66 = arith.constant 0 : i32
    %cond3A_67 = arith.cmpi ne, %convert_element_type3A_65, %cond3A_66 : i32
    scf.if %cond3A_67 {
      %lt3A = arith.constant 6 : i32
      %lt3A_76 = vector.broadcast %lt3A : i32 to vector<1x1024xi32>
      %lt3A_77 = arith.cmpi slt, %get3A_16, %lt3A_76 : vector<1x1024xi32>
      %convert_element_type3A_78 = arith.extui %lt3A_77 : vector<1x1024xi1> to vector<1x1024xi32>
      %reduce_sum3A = vector.shape_cast %convert_element_type3A_78 : vector<1x1024xi32> to vector<1x1x1024xi32>
      %reduce_sum3A_79 = arith.constant dense<0> : vector<1xi32>
      %reduce_sum3A_80 = vector.multi_reduction <add>, %reduce_sum3A, %reduce_sum3A_79 [1, 2] : vector<1x1x1024xi32> to vector<1xi32>
      %reduce_sum3A_81 = vector.shape_cast %reduce_sum3A_80 : vector<1xi32> to vector<1x1x1xi32>
      %reduce_sum3A_82 = vector.extract %reduce_sum3A_81[0, 0, 0] : i32 from vector<1x1x1xi32>
      %le3A_83 = arith.constant 6 : i32
      %le3A_84 = vector.broadcast %le3A_83 : i32 to vector<1x1024xi32>
      %le3A_85 = arith.cmpi sle, %get3A_16, %le3A_84 : vector<1x1024xi32>
      %convert_element_type3A_86 = arith.extui %le3A_85 : vector<1x1024xi1> to vector<1x1024xi32>
      %reduce_sum3A_87 = vector.shape_cast %convert_element_type3A_86 : vector<1x1024xi32> to vector<1x1x1024xi32>
      %reduce_sum3A_88 = arith.constant dense<0> : vector<1xi32>
      %reduce_sum3A_89 = vector.multi_reduction <add>, %reduce_sum3A_87, %reduce_sum3A_88 [1, 2] : vector<1x1x1024xi32> to vector<1xi32>
      %reduce_sum3A_90 = vector.shape_cast %reduce_sum3A_89 : vector<1xi32> to vector<1x1x1xi32>
      %reduce_sum3A_91 = vector.extract %reduce_sum3A_90[0, 0, 0] : i32 from vector<1x1x1xi32>
      %ge3A_92 = vector.broadcast %reduce_sum3A_82 : i32 to vector<1024x1xi32>
      %ge3A_93 = arith.cmpi sge, %iota3A, %ge3A_92 : vector<1024x1xi32>
      %lt3A_94 = vector.broadcast %reduce_sum3A_91 : i32 to vector<1024x1xi32>
      %lt3A_95 = arith.cmpi slt, %iota3A, %lt3A_94 : vector<1024x1xi32>
      %and3A_96 = arith.andi %ge3A_93, %lt3A_95 : vector<1024x1xi1>
      %get3A_97 = arith.constant 0 : index
      %get3A_98 = arith.constant 0 : index
      %get3A_99 = vector.load %arg2[%get3A_97, %get3A_98] : memref<1024x768xf32, #tpu.memory_space<vmem>>, vector<1024x768xf32>
      %jit3A = arith.constant 0.000000e+00 : f32
      %broadcast_in_dim3A_100 = vector.shape_cast %and3A_96 : vector<1024x1xi1> to vector<1024x1xi1>
      %broadcast_in_dim3A_101 = vector.broadcast %broadcast_in_dim3A_100 : vector<1024x1xi1> to vector<1024x768xi1>
      %broadcast_in_dim3A_102 = vector.broadcast %jit3A : f32 to vector<1024x768xf32>
      %select_n3A = arith.select %broadcast_in_dim3A_101, %get3A_99, %broadcast_in_dim3A_102 : vector<1024x768xi1>, vector<1024x768xf32>
      %convert_element_type3A_103 = arith.truncf %select_n3A : vector<1024x768xf32> to vector<1024x768xbf16>
      %get3A_104 = arith.constant 0 : index
      %get3A_105 = arith.constant 0 : index
      %get3A_106 = vector.load %arg4[%get3A_104, %get3A_105] : memref<1024x768xf32, #tpu.memory_space<vmem>>, vector<1024x768xf32>
      %get3A_107 = arith.constant 6 : index
      %get3A_108 = arith.constant 0 : index
      %get3A_109 = arith.constant 0 : index
      %get3A_110 = vector.load %arg3[%get3A_107, %get3A_108, %get3A_109] : memref<8x768x768xbf16, #tpu.memory_space<vmem>>, vector<1x768x768xbf16>
      %get3A_111 = vector.shape_cast %get3A_110 : vector<1x768x768xbf16> to vector<768x768xbf16>
      %dot_general3A = arith.constant dense<0.000000e+00> : vector<1024x768xf32>
      %dot_general3A_112 = tpu.matmul %convert_element_type3A_103, %get3A_111, %dot_general3A {dimension_numbers = #tpu.dot_dimension_numbers<[1], [0], [0], [1], [0, 0, 1, 1], [], []>, transpose_lhs_hint = false} : vector<1024x768xbf16>, vector<768x768xbf16>, vector<1024x768xf32> -> vector<1024x768xf32>
      %add3A = arith.addf %get3A_106, %dot_general3A_112 : vector<1024x768xf32>
      %swap3A_113 = arith.constant 0 : index
      %swap3A_114 = arith.constant 0 : index
      %swap3A_115 = vector.load %arg4[%swap3A_113, %swap3A_114] : memref<1024x768xf32, #tpu.memory_space<vmem>>, vector<1024x768xf32>
      tpu.vector_store %arg4[%swap3A_113, %swap3A_114], %add3A {strides = array<i32>} : memref<1024x768xf32, #tpu.memory_space<vmem>>, vector<1024x768xf32>,
    } else {
    }
    %le3A_68 = arith.constant 7 : i32
    %le3A_69 = arith.cmpi sle, %get3A_3, %le3A_68 : i32
    %ge3A_70 = arith.constant 7 : i32
    %ge3A_71 = arith.cmpi sge, %get3A_8, %ge3A_70 : i32
    %and3A_72 = arith.andi %le3A_69, %ge3A_71 : i1
    %convert_element_type3A_73 = arith.extui %and3A_72 : i1 to i32
    %cond3A_74 = arith.constant 0 : i32
    %cond3A_75 = arith.cmpi ne, %convert_element_type3A_73, %cond3A_74 : i32
    scf.if %cond3A_75 {
      %lt3A = arith.constant 7 : i32
      %lt3A_76 = vector.broadcast %lt3A : i32 to vector<1x1024xi32>
      %lt3A_77 = arith.cmpi slt, %get3A_16, %lt3A_76 : vector<1x1024xi32>
      %convert_element_type3A_78 = arith.extui %lt3A_77 : vector<1x1024xi1> to vector<1x1024xi32>
      %reduce_sum3A = vector.shape_cast %convert_element_type3A_78 : vector<1x1024xi32> to vector<1x1x1024xi32>
      %reduce_sum3A_79 = arith.constant dense<0> : vector<1xi32>
      %reduce_sum3A_80 = vector.multi_reduction <add>, %reduce_sum3A, %reduce_sum3A_79 [1, 2] : vector<1x1x1024xi32> to vector<1xi32>
      %reduce_sum3A_81 = vector.shape_cast %reduce_sum3A_80 : vector<1xi32> to vector<1x1x1xi32>
      %reduce_sum3A_82 = vector.extract %reduce_sum3A_81[0, 0, 0] : i32 from vector<1x1x1xi32>
      %le3A_83 = arith.constant 7 : i32
      %le3A_84 = vector.broadcast %le3A_83 : i32 to vector<1x1024xi32>
      %le3A_85 = arith.cmpi sle, %get3A_16, %le3A_84 : vector<1x1024xi32>
      %convert_element_type3A_86 = arith.extui %le3A_85 : vector<1x1024xi1> to vector<1x1024xi32>
      %reduce_sum3A_87 = vector.shape_cast %convert_element_type3A_86 : vector<1x1024xi32> to vector<1x1x1024xi32>
      %reduce_sum3A_88 = arith.constant dense<0> : vector<1xi32>
      %reduce_sum3A_89 = vector.multi_reduction <add>, %reduce_sum3A_87, %reduce_sum3A_88 [1, 2] : vector<1x1x1024xi32> to vector<1xi32>
      %reduce_sum3A_90 = vector.shape_cast %reduce_sum3A_89 : vector<1xi32> to vector<1x1x1xi32>
      %reduce_sum3A_91 = vector.extract %reduce_sum3A_90[0, 0, 0] : i32 from vector<1x1x1xi32>
      %ge3A_92 = vector.broadcast %reduce_sum3A_82 : i32 to vector<1024x1xi32>
      %ge3A_93 = arith.cmpi sge, %iota3A, %ge3A_92 : vector<1024x1xi32>
      %lt3A_94 = vector.broadcast %reduce_sum3A_91 : i32 to vector<1024x1xi32>
      %lt3A_95 = arith.cmpi slt, %iota3A, %lt3A_94 : vector<1024x1xi32>
      %and3A_96 = arith.andi %ge3A_93, %lt3A_95 : vector<1024x1xi1>
      %get3A_97 = arith.constant 0 : index
      %get3A_98 = arith.constant 0 : index
      %get3A_99 = vector.load %arg2[%get3A_97, %get3A_98] : memref<1024x768xf32, #tpu.memory_space<vmem>>, vector<1024x768xf32>
      %jit3A = arith.constant 0.000000e+00 : f32
      %broadcast_in_dim3A_100 = vector.shape_cast %and3A_96 : vector<1024x1xi1> to vector<1024x1xi1>
      %broadcast_in_dim3A_101 = vector.broadcast %broadcast_in_dim3A_100 : vector<1024x1xi1> to vector<1024x768xi1>
      %broadcast_in_dim3A_102 = vector.broadcast %jit3A : f32 to vector<1024x768xf32>
      %select_n3A = arith.select %broadcast_in_dim3A_101, %get3A_99, %broadcast_in_dim3A_102 : vector<1024x768xi1>, vector<1024x768xf32>
      %convert_element_type3A_103 = arith.truncf %select_n3A : vector<1024x768xf32> to vector<1024x768xbf16>
      %get3A_104 = arith.constant 0 : index
      %get3A_105 = arith.constant 0 : index
      %get3A_106 = vector.load %arg4[%get3A_104, %get3A_105] : memref<1024x768xf32, #tpu.memory_space<vmem>>, vector<1024x768xf32>
      %get3A_107 = arith.constant 7 : index
      %get3A_108 = arith.constant 0 : index
      %get3A_109 = arith.constant 0 : index
      %get3A_110 = vector.load %arg3[%get3A_107, %get3A_108, %get3A_109] : memref<8x768x768xbf16, #tpu.memory_space<vmem>>, vector<1x768x768xbf16>
      %get3A_111 = vector.shape_cast %get3A_110 : vector<1x768x768xbf16> to vector<768x768xbf16>
      %dot_general3A = arith.constant dense<0.000000e+00> : vector<1024x768xf32>
      %dot_general3A_112 = tpu.matmul %convert_element_type3A_103, %get3A_111, %dot_general3A {dimension_numbers = #tpu.dot_dimension_numbers<[1], [0], [0], [1], [0, 0, 1, 1], [], []>, transpose_lhs_hint = false} : vector<1024x768xbf16>, vector<768x768xbf16>, vector<1024x768xf32> -> vector<1024x768xf32>
      %add3A = arith.addf %get3A_106, %dot_general3A_112 : vector<1024x768xf32>
      %swap3A_113 = arith.constant 0 : index
      %swap3A_114 = arith.constant 0 : index
      %swap3A_115 = vector.load %arg4[%swap3A_113, %swap3A_114] : memref<1024x768xf32, #tpu.memory_space<vmem>>, vector<1024x768xf32>
      tpu.vector_store %arg4[%swap3A_113, %swap3A_114], %add3A {strides = array<i32>} : memref<1024x768xf32, #tpu.memory_space<vmem>>, vector<1024x768xf32>,
    } else {
    }
    return
  }
  func.func @transform_0(%arg0: i32) -> (i32, i32, i32) {
    %c0_i32 = arith.constant 0 : i32
    %c0_i32_0 = arith.constant 0 : i32
    %c0_i32_1 = arith.constant 0 : i32
    return %arg0, %c0_i32, %c0_i32_0 : i32, i32, i32
  }
  func.func @transform_1(%arg0: i32) -> (i32, i32) {
    %c0_i32 = arith.constant 0 : i32
    %c0_i32_0 = arith.constant 0 : i32
    return %arg0, %c0_i32 : i32, i32
  }
  func.func @transform_2(%arg0: i32) -> (i32, i32, i32) {
    %c0_i32 = arith.constant 0 : i32
    %c0_i32_0 = arith.constant 0 : i32
    %c0_i32_1 = arith.constant 0 : i32
    %c0_i32_2 = arith.constant 0 : i32
    return %c0_i32, %c0_i32_0, %c0_i32_1 : i32, i32, i32
  }
  func.func @transform_3(%arg0: i32) -> (i32, i32) {
    %c0_i32 = arith.constant 0 : i32
    %c0_i32_0 = arith.constant 0 : i32
    return %arg0, %c0_i32 : i32, i32
  }
}

</mosaic_0001>

<sc_bundles>
// kernel: kernel.5.cloned.1.call-start
scs
__scs_entry_jumppad:
0x0: {  	(pc) =	sbr.rel $0x88, $3  }
0x1: {  	(tag) =	ssettag $0x0;
	lr =	simm.s32 $0x1  }
0x2: {  	[smem:$0x3F9D] =	sst lr;
	_ =	strace $0xD0000000  }
0x3: {  	_ = 	snop  }
0x4: {  	_ = 	snop  }
0x5: {  	_ = 	snop  }
0x6: {  	_ = 	snop  }
0x7: {  	_ = 	snop  }
__scs_overlays_trampoline_lowered:
0x8: {  	[smem:$0x3FAC] =	sst s0  }
0x9: {  	[smem:$0x3FAD] =	sst s1  }
0xa: {  	[smem:$0x3FAE] =	sst s2  }
0xb: {  	[smem:$0x3FAF] =	sst s3  }
0xc: {  	[smem:$0x3FB0] =	sst s4  }
0xd: {  	[smem:$0x3FB1] =	sst s5  }
0xe: {  	[smem:$0x3FB2] =	sst s6  }
0xf: {  	[smem:$0x3FB3] =	sst s7  }
0x10: {  	[smem:$0x3FB4] =	sst s8  }
0x11: {  	[smem:$0x3FB5] =	sst s9;
	s0 =	simm.s32 @!p0 $0x0  }
0x12: {  	s1 =	sld [smem:$0x3F9B];
	s0 =	simm.s32 @p0 $0x1  }
0x13: {  	[smem:$0x3FB6] =	sst s0;
	s0 =	simm.s32 @!p1 $0x0  }
0x14: {  	s2 =	sld [smem:$0x3F9A];
	s0 =	simm.s32 @p1 $0x1  }
0x15: {  	[smem:$0x3FB7] =	sst s0;
	s0 =	simm.s32 @!p2 $0x0  }
0x16: {  	s3 =	sld [smem:$0x3FDB];
	s0 =	simm.s32 @p2 $0x1  }
0x17: {  	s4 =	simm.s32 $0x1BF5;
	[smem:$0x3FB9] =	sst s0  }
0x18: {  	s0 =	sld [smem:$0x3F9C];
	_ =	swait.ge [sflag:s4], $0x0  }
0x19: {  	s7 =	sld [smem:$0x3F9D]  }
0x1a: {  	s8 =	sadd.s32 $0xFFFFE003, lr  }
0x1b: {  	s9 =	sadd.s32 $0xFFFFFEF7, lr;
	s5 =	simm.s32 $0xFFFFFFFF;
	p2 =	slt.u32 s8, $0xFFFFF086  }
0x1c: {  	p1 =	slt.u32 s9, $0xF7A;
	s5 =	simm.s32 @!p2 $0x0  }
0x1d: {  	s5 =	simm.s32 @p1 $0x1;
	p0 =	seq.s32 s7, s2  }
0x1e: {  	s7 =	smul.u32 @!p0 $0xF7A, s2;
	p2 =	seq.s32 @!p0 s5, $0x0  }
0x1f: {  	s9 =	smul.u32 $0xF7A, s1;
	s8 =	simm.s32 @!p0 $0x1BF5;
	p2 =	por !p2, p0  }
0x20: {  	[sflag:s8] =	ssyncset.s32 @!p0 $0xFFFFF086;
	s6 =	sadd.s32 @!p0 s3, s7;
	s7 =	simm.s32 @!p0 $0x108  }
0x21: {  	s3 =	sadd.s32 s3, s9;
	s6 =	sadd.s32 @!p0 $0x88, s6;
	s7 =	simm.s32 @p2 $0x1082  }
0x22: {  	[simem:s7], [sflag:s8] =	dma.local @!p0 [hbm:s6], $0xF7A  }
0x23: {  	s9 =	sor.u32 $0xD0000000, s2;
	s6 =	simm.s32 $0x108;
	_ =	swait.ge @!p0 [sflag:s8], $0x0  }
0x24: {  	s3 =	sadd.s32 $0x88, s3;
	s6 =	simm.s32 @!p1 $0x1082;
	[sflag:s4] =	ssyncset.s32 $0xFFFFF086  }
0x25: {  	[simem:s6], [sflag:s4] =	dma.local [hbm:s3], $0xF7A  }
0x26: {  	[smem:$0x3F9D] =	sst s1;
	(tag) =	ssettag s2;
	_ =	strace s9  }
0x27: {  	s1 =	sld [smem:$0x3FAD]  }
0x28: {  	s2 =	sld [smem:$0x3FAE]  }
0x29: {  	s4 =	sld [smem:$0x3FB0]  }
0x2a: {  	p0 =	seq.s32 s5, $0x0;
	s5 =	sld [smem:$0x3FB1]  }
0x2b: {  	s6 =	sld [smem:$0x3FB2]  }
0x2c: {  	s7 =	sld [smem:$0x3FB3]  }
0x2d: {  	s3 =	simm.s32 $0x108;
	s8 =	sld [smem:$0x3FB4]  }
0x2e: {  	s3 =	simm.s32 @!p0 $0x1082;
	s9 =	sld [smem:$0x3FB5]  }
0x2f: {  	lr =	sadd.s32 s0, s3;
	s0 =	sld [smem:$0x3FAC]  }
0x30: {  	s3 =	sld [smem:$0x3FAF]  }
0x31: {  	[smem:$0x3FB8] =	sst s10  }
0x32: {  	s10 =	sld [smem:$0x3FB6];
	_ =	sdelay $0x3  }
0x33: {  	p0 =	seq.s32 s10, $0x1;
	s10 =	sld [smem:$0x3FB8];
	_ =	sdelay $0x3  }
0x34: {  	[smem:$0x3FB8] =	sst s10  }
0x35: {  	s10 =	sld [smem:$0x3FB7];
	_ =	sdelay $0x3  }
0x36: {  	p1 =	seq.s32 s10, $0x1;
	s10 =	sld [smem:$0x3FB8];
	_ =	sdelay $0x3  }
0x37: {  	[smem:$0x3FB8] =	sst s10  }
0x38: {  	s10 =	sld [smem:$0x3FB9]  }
0x39: {  	_ = 	snop;
	(pc) =	sbr.ind lr, $3  }
0x3a: {  	_ = 	snop  }
0x3b: {  	_ = 	snop  }
0x3c: {  	p2 =	seq.s32 s10, $0x1;
	s10 =	sld [smem:$0x3FB8]  }
0x3d: {  	_ =	shalt  }
0x3e: {  	_ =	shalt  }
0x3f: {  	_ =	shalt  }
0x40: {  	_ =	shalt  }
0x41: {  	_ =	shalt  }
0x42: {  	_ =	shalt  }
0x43: {  	_ =	shalt  }
0x44: {  	_ =	shalt  }
0x45: {  	_ =	shalt  }
0x46: {  	_ =	shalt  }
0x47: {  	_ =	shalt  }
0x48: {  	_ =	shalt  }
0x49: {  	_ =	shalt  }
0x4a: {  	_ =	shalt  }
0x4b: {  	_ =	shalt  }
0x4c: {  	_ =	shalt  }
0x4d: {  	_ =	shalt  }
0x4e: {  	_ =	shalt  }
0x4f: {  	_ =	shalt  }
0x50: {  	_ =	shalt  }
0x51: {  	_ =	shalt  }
0x52: {  	_ =	shalt  }
0x53: {  	_ =	shalt  }
0x54: {  	_ =	shalt  }
0x55: {  	_ =	shalt  }
0x56: {  	_ =	shalt  }
0x57: {  	_ =	shalt  }
0x58: {  	_ =	shalt  }
0x59: {  	_ =	shalt  }
0x5a: {  	_ =	shalt  }
0x5b: {  	_ =	shalt  }
0x5c: {  	_ =	shalt  }
0x5d: {  	_ =	shalt  }
0x5e: {  	_ =	shalt  }
0x5f: {  	_ =	shalt  }
0x60: {  	_ =	shalt  }
0x61: {  	_ =	shalt  }
0x62: {  	_ =	shalt  }
0x63: {  	_ =	shalt  }
0x64: {  	_ =	shalt  }
0x65: {  	_ =	shalt  }
0x66: {  	_ =	shalt  }
0x67: {  	_ =	shalt  }
0x68: {  	_ =	shalt  }
0x69: {  	_ =	shalt  }
0x6a: {  	_ =	shalt  }
0x6b: {  	_ =	shalt  }
0x6c: {  	_ =	shalt  }
0x6d: {  	_ =	shalt  }
0x6e: {  	_ =	shalt  }
0x6f: {  	_ =	shalt  }
0x70: {  	_ =	shalt  }
0x71: {  	_ =	shalt  }
0x72: {  	_ =	shalt  }
0x73: {  	_ =	shalt  }
0x74: {  	_ =	shalt  }
0x75: {  	_ =	shalt  }
0x76: {  	_ =	shalt  }
0x77: {  	_ =	shalt  }
0x78: {  	_ =	shalt  }
0x79: {  	_ =	shalt  }
0x7a: {  	_ =	shalt  }
0x7b: {  	_ =	shalt  }
0x7c: {  	_ =	shalt  }
0x7d: {  	_ =	shalt  }
0x7e: {  	_ =	shalt  }
0x7f: {  	_ =	shalt  }
0x80: {  	_ =	shalt  }
0x81: {  	_ =	shalt  }
0x82: {  	_ =	shalt  }
0x83: {  	_ =	shalt  }
0x84: {  	_ =	shalt  }
0x85: {  	_ =	shalt  }
0x86: {  	_ =	shalt  }
0x87: {  	_ =	shalt  }
.Lfunc_end0:
.L_simem_size_0:
called_computation_lowered:
.L_overlay_start_0:
0x88: {  	s2 =	sld [smem:$0x3FD9]  }
0x89: {  	s3 =	sld [smem:$0x3FFE];
	_ =	sdelay $0x1  }
0x8a: {  	s1 =	srdreg.scid  }
0x8b: {  	s0 =	sand.u32 $0x1, s1  }
0x8c: {  	s17 =	sshll.u32 s0, $0xA;
	s2 =	sadd.s32 s3, s2  }
0x8d: {  	s2 =	sadd.s32 s2, s17  }
0x8e: {  	[smem:$0x3FC4] =	sst s2  }
0x8f: {  	_ = 	snop  }
0x90: {  	s2 =	sld [smem:$0x3FC9]  }
0x91: {  	s18 =	sld [smem:$0x3FD0];
	(tm) =	ssettm $0x1  }
0x92: {  	s4 =	sld [smem:$0x3FFB];
	_ =	sdelay $0x3  }
0x93: {  	_ =	strace s4  }
0x94: {  	s4 =	sld [smem:$0x3FFC];
	_ =	sdelay $0x3  }
0x95: {  	_ =	strace s4  }
0x96: {  	s4 =	sld [smem:$0x3FFD];
	_ =	sdelay $0x3  }
0x97: {  	_ =	strace s4  }
0x98: {  	_ =	strace $0x8FFFFFFF  }
0x99: {  	s19 =	sld [smem:$0x3FDB];
	_ =	sdelay $0x1  }
0x9a: {  	s5 =	simm.s32 $_scs_section_size  }
0x9b: {  	s6 =	simm.s32 $_size__tile_overlayer_lowered;
	s7 =	simm.s32 $_tile_overlayer_lowered  }
0x9c: {  	s22 =	simm.s32 $0x1BFF;
	s21 =	sshll.u32 s7, $0x1;
	s4 =	sadd.s32 s5, s19  }
0x9d: {  	s8 =	simm.s32 $0x0;
	s20 =	sshll.u32 s6, $0x1;
	s6 =	sadd.s32 s21, s4  }
0x9e: {  	[timem:s8], [sflag:s22] =	dma.local [hbm:s6], s20  }
0x9f: {  	_ =	swait.ge [sflag:s22], s20  }
0xa0: {  	s5 =	ssub.s32 $0x0, s20;
	[sflag:s22] =	ssyncset.done $0x0  }
0xa1: {  	[sflag:s22] =	ssyncadd.s32 s5;
	_ =	sdelay $0x1  }
0xa2: {  	s23 =	simm.s32 $0x1B8B  }
0xa3: {  	_ =	swait.ge [sflag:s23], $0x1  }
0xa4: {  	[sflag:s23] =	ssyncset.done $0x0  }
0xa5: {  	s25 =	simm.s32 $0x1B8E;
	s24 =	sld [smem:$0x3FFE];
	[sflag:s23] =	ssyncadd.s32 $0xFFFFFFFF  }
0xa6: {  	s26 =	simm.s32 $execute0_lowered;
	[smem:$0x3FD2] =	sst s25  }
0xa7: {  	s6 =	sshll.u32 s26, $0x1;
	_ =	strace $0x80000046;
	[dreg:$0x1] =	wrdreg $0xFFFFFFFF  }
0xa8: {  	s28 =	simm.s32 $_size_execute0_lowered;
	s4 =	sadd.s32 s4, s6;
	[dreg:$0x0] =	wrdreg $0x0  }
0xa9: {  	s6 =	sshll.u32 s28, $0x1;
	[dreg:$0x2] =	wrdreg s4  }
0xaa: {  	[dreg:$0x3] =	wrdreg s6  }
0xab: {  	[dreg:$0x4] =	wrdreg $0xC0  }
0xac: {  	_ =	task [dreg:s8], $0x5FFFF  }
0xad: {  	[dreg:$0x1] =	wrdreg $0xFFFFFFFF  }
0xae: {  	[dreg:$0x0] =	wrdreg $0x60  }
0xaf: {  	[dreg:$0x2] =	wrdreg s24  }
0xb0: {  	[dreg:$0x3] =	wrdreg s2  }
0xb1: {  	[dreg:$0x4] =	wrdreg s18  }
0xb2: {  	[dreg:$0x5] =	wrdreg $0x9  }
0xb3: {  	_ =	task.clear_ibuf [dreg:s8], $0x6FFFF;
	_ =	strace $0x90000046  }
0xb4: {  	s29 =	simm.s32 $0x9;
	_ =	strace $0x80000048  }
0xb5: {  	_ =	swait.ge [sflag:s29], $0x1  }
0xb6: {  	[sflag:s29] =	ssyncadd.s32 $0xFFFFFFFF  }
0xb7: {  	_ =	strace $0x90000048  }
0xb8: {  	_ =	sfence  }
0xb9: {  	s30 =	sld [smem:$0x0];
	_ =	sdelay $0x2  }
0xba: {  	s31 =	sshll.u32 s1, $0xD;
	s1 =	sshrl.u32 s1, $0x2  }
0xbb: {  	s3 =	sand.u32 $0x4000, s31;
	s1 =	sadd.s32 s1, s30  }
0xbc: {  	s0 =	sor.u32 s3, s0;
	s1 =	sshll.u32 s1, $0x11  }
0xbd: {  	s0 =	sor.u32 s1, s0  }
0xbe: {  	s0 =	sadd.s32 $0x8F2B, s0  }
0xbf: {  	[sflag:s0] =	ssyncadd.remote.s32 $0x1  }
0xc0: {  	_ =	sfence.sel $0xFFFF  }
0xc1: {  	[dreg:$0x0] =	wrdreg $0xFFFFFFFF;
	(pc) =	sbr.abs _section_cstart, $3  }
0xc2: {  	[dreg:$0x1] =	wrdreg $0xFFFFFFFF  }
0xc3: {  	_ =	task.clear_ibuf [dreg:s8], $0x2FFFF;
	_ =	strace $0x9FFFFFFF  }
0xc4: {  	(tm) =	ssettm $0x7FFFFFFF  }
0xc5: {  	_ =	shalt  }
tec
execute0_lowered:
.L_overlay_start_1:
0x0: {  	(tag) =	ssettag $0x1  }
0x1: {  	s0 =	rddreg [dreg:$0x0]  }
0x2: {  	s2 =	rddreg [dreg:$0x1]  }
0x3: {  	s1 =	rddreg [dreg:$0x2]  }
0x4: {  	s3 =	srdreg.scid;
	s5 =	stileid.u32;
	s31 =	simm.s32 $0x80  }
0x5: {  	s4 =	sand.u32 $0x1, s3;
	s3 =	simm.s32 $0x0;
	s5 =	sshll.u32 s5, $0x6  }
0x6: {  	s0 =	sadd.s32 $0xC00, s0;
	s6 =	sshll.u32 s4, $0x5;
	[smem:$0x7FF] =	sst s3  }
0x7: {  	s4 =	ssub.s32 $0x2, s4;
	s5 =	sor.u32 s6, s5;
	_ =	strace $0x80000047  }
0x8: {  	s28 =	sshrl.u32 s4, $0x1;
	s6 =	smul.u32 $0x300, s5;
	s7 =	sadd.s32 s0, s5  }
0x9: {  	s8 =	sor.u32 $0x8, s5;
	s21 =	sor.u32 $0x10, s5;
	s5 =	sor.u32 $0x18, s5  }
0xa: {  	s29 =	ssub.s32 s4, s28;
	[dreg:$0x4] =	wrdreg s7;
	s20 =	sadd.s32 s0, s8  }
0xb: {  	s4 =	sadd.s32 $0x100, s2;
	s24 =	sadd.s32 s0, s21;
	[dreg:$0x6] =	wrdreg s20  }
0xc: {  	s19 =	smul.u32 $0x300, s8;
	s0 =	sadd.s32 s0, s5;
	[dreg:$0x8] =	wrdreg s24  }
0xd: {  	s23 =	smul.u32 $0x300, s21;
	s6 =	sadd.s32 s1, s6;
	[dreg:$0xa] =	wrdreg s0  }
0xe: {  	s26 =	smul.u32 $0x300, s5;
	[dreg:$0x5] =	wrdreg s6;
	s22 =	sadd.s32 s1, s19  }
0xf: {  	v2 =	vlaneseq.u32;
	s5 =	sadd.s32 $0x200, s2;
	s25 =	sadd.s32 s1, s23;
	[dreg:$0x7] =	wrdreg s22  }
0x10: {  	vm0 =	vmmov $0xffff;
	v1 =	vshrl.u32 v2, $0x3;
	s7 =	simm.s32 $0x2;
	s30 =	sadd.s32 s1, s26;
	[dreg:$0x9] =	wrdreg s25  }
0x11: {  	v0 =	vand.u32 $0x7, v2;
	v2 =	vor.u32 $0x8, v2;
	v1 =	vmul.u32 $0x8, v1;
	s6 =	smax.u32 s29, $0x1;
	s1 =	simm.s32 $0x1;
	[dreg:$0xb] =	wrdreg s30  }
.LBB2_1:
0x12: {  	s9 =	rddreg [dreg:$0x4]  }
0x13: {  	[tilespmem:s3], [sflag:$0x2] =	stream.linear.gather [hbm4b:s9+s3], $0x40, $0x38;
	[tilespmem:$0xC080] =	vst v63  }
0x14: {  	_ =	swait.ge [sflag:s7], $0x40  }
0x15: {  	[sflag:s7] =	ssyncset.done $0x0  }
0x16: {  	[sflag:s7] =	ssyncadd.s32 $0xFFFFFFC0  }
0x17: {  	v3 =	vld [tilespmem:$0x0];
	_ =	sdelay $0x4  }
0x18: {  	v4 =	vshrl.u32 v3, $0x3  }
0x19: {  	v4 =	vmul.u32 $0x30, v4  }
0x1a: {  	v3 =	vand.u32 $0x7, v3  }
0x1b: {  	v3 =	vor.u32 v3, v4  }
0x1c: {  	v4 =	vperm.xlane v3, v0;
	_ =	sdelay $0x1  }
0x1d: {  	v4 =	vadd.s32 v1, v4;
	_ =	sdelay $0x3  }
0x1e: {  	v3 =	vperm.xlane v3, v2  }
0x1f: {  	[tilespmem:s31], [sflag:$0x1] =	stream.indirect_vreg.gather [hbm4b:s2+s3], $0x80, v4, vm0, $0xb8;
	[tilespmem:$0xC080] =	vst v63  }
0x20: {  	s0 =	simm.s32 $0x880;
	v3 =	vadd.s32 v1, v3  }
0x21: {  	[tilespmem:s0], [sflag:$0x1] =	stream.indirect_vreg.gather [hbm4b:s4+s3], $0x80, v4, vm0, $0xb8;
	[tilespmem:$0xC080] =	vst v63  }
0x22: {  	s28 =	simm.s32 $0x1080  }
0x23: {  	[tilespmem:s28], [sflag:$0x1] =	stream.indirect_vreg.gather [hbm4b:s5+s3], $0x80, v4, vm0, $0xb8;
	[tilespmem:$0xC080] =	vst v63  }
0x24: {  	s29 =	simm.s32 $0x1880  }
0x25: {  	[tilespmem:s29], [sflag:$0x1] =	stream.indirect_vreg.gather [hbm4b:s2+s3], $0x80, v3, vm0, $0xb8;
	[tilespmem:$0xC080] =	vst v63  }
0x26: {  	s30 =	simm.s32 $0x2080  }
0x27: {  	[tilespmem:s30], [sflag:$0x1] =	stream.indirect_vreg.gather [hbm4b:s4+s3], $0x80, v3, vm0, $0xb8;
	[tilespmem:$0xC080] =	vst v63  }
0x28: {  	s8 =	simm.s32 $0x2880  }
0x29: {  	[tilespmem:s8], [sflag:$0x1] =	stream.indirect_vreg.gather [hbm4b:s5+s3], $0x80, v3, vm0, $0xb8;
	[tilespmem:$0xC080] =	vst v63  }
0x2a: {  	v3 =	vld [tilespmem:$0x10];
	_ =	sdelay $0x4  }
0x2b: {  	v49 =	vshrl.u32 v3, $0x3  }
0x2c: {  	v4 =	vmul.u32 $0x30, v49  }
0x2d: {  	v3 =	vand.u32 $0x7, v3  }
0x2e: {  	v3 =	vor.u32 v3, v4  }
0x2f: {  	v4 =	vperm.xlane v3, v0;
	_ =	sdelay $0x1  }
0x30: {  	v4 =	vadd.s32 v1, v4;
	_ =	sdelay $0x3  }
0x31: {  	s9 =	simm.s32 $0x3080;
	v3 =	vperm.xlane v3, v2  }
0x32: {  	[tilespmem:s9], [sflag:$0x1] =	stream.indirect_vreg.gather [hbm4b:s2+s3], $0x80, v4, vm0, $0xb8;
	[tilespmem:$0xC080] =	vst v63  }
0x33: {  	s10 =	simm.s32 $0x3880;
	v3 =	vadd.s32 v1, v3  }
0x34: {  	[tilespmem:s10], [sflag:$0x1] =	stream.indirect_vreg.gather [hbm4b:s4+s3], $0x80, v4, vm0, $0xb8;
	[tilespmem:$0xC080] =	vst v63  }
0x35: {  	s11 =	simm.s32 $0x4080  }
0x36: {  	[tilespmem:s11], [sflag:$0x1] =	stream.indirect_vreg.gather [hbm4b:s5+s3], $0x80, v4, vm0, $0xb8;
	[tilespmem:$0xC080] =	vst v63  }
0x37: {  	s12 =	simm.s32 $0x4880  }
0x38: {  	[tilespmem:s12], [sflag:$0x1] =	stream.indirect_vreg.gather [hbm4b:s2+s3], $0x80, v3, vm0, $0xb8;
	[tilespmem:$0xC080] =	vst v63  }
0x39: {  	s13 =	simm.s32 $0x5080  }
0x3a: {  	[tilespmem:s13], [sflag:$0x1] =	stream.indirect_vreg.gather [hbm4b:s4+s3], $0x80, v3, vm0, $0xb8;
	[tilespmem:$0xC080] =	vst v63  }
0x3b: {  	s14 =	simm.s32 $0x5880  }
0x3c: {  	[tilespmem:s14], [sflag:$0x1] =	stream.indirect_vreg.gather [hbm4b:s5+s3], $0x80, v3, vm0, $0xb8;
	[tilespmem:$0xC080] =	vst v63  }
0x3d: {  	v3 =	vld [tilespmem:$0x20];
	_ =	sdelay $0x4  }
0x3e: {  	v50 =	vshrl.u32 v3, $0x3  }
0x3f: {  	v4 =	vmul.u32 $0x30, v50  }
0x40: {  	v3 =	vand.u32 $0x7, v3  }
0x41: {  	v3 =	vor.u32 v3, v4  }
0x42: {  	v4 =	vperm.xlane v3, v0;
	_ =	sdelay $0x1  }
0x43: {  	v4 =	vadd.s32 v1, v4;
	_ =	sdelay $0x3  }
0x44: {  	s15 =	simm.s32 $0x6080;
	v3 =	vperm.xlane v3, v2  }
0x45: {  	[tilespmem:s15], [sflag:$0x1] =	stream.indirect_vreg.gather [hbm4b:s2+s3], $0x80, v4, vm0, $0xb8;
	[tilespmem:$0xC080] =	vst v63  }
0x46: {  	s16 =	simm.s32 $0x6880;
	v3 =	vadd.s32 v1, v3  }
0x47: {  	[tilespmem:s16], [sflag:$0x1] =	stream.indirect_vreg.gather [hbm4b:s4+s3], $0x80, v4, vm0, $0xb8;
	[tilespmem:$0xC080] =	vst v63  }
0x48: {  	s17 =	simm.s32 $0x7080  }
0x49: {  	[tilespmem:s17], [sflag:$0x1] =	stream.indirect_vreg.gather [hbm4b:s5+s3], $0x80, v4, vm0, $0xb8;
	[tilespmem:$0xC080] =	vst v63  }
0x4a: {  	s18 =	simm.s32 $0x7880  }
0x4b: {  	[tilespmem:s18], [sflag:$0x1] =	stream.indirect_vreg.gather [hbm4b:s2+s3], $0x80, v3, vm0, $0xb8;
	[tilespmem:$0xC080] =	vst v63  }
0x4c: {  	s19 =	simm.s32 $0x8080  }
0x4d: {  	[tilespmem:s19], [sflag:$0x1] =	stream.indirect_vreg.gather [hbm4b:s4+s3], $0x80, v3, vm0, $0xb8;
	[tilespmem:$0xC080] =	vst v63  }
0x4e: {  	s20 =	simm.s32 $0x8880  }
0x4f: {  	[tilespmem:s20], [sflag:$0x1] =	stream.indirect_vreg.gather [hbm4b:s5+s3], $0x80, v3, vm0, $0xb8;
	[tilespmem:$0xC080] =	vst v63  }
0x50: {  	v3 =	vld [tilespmem:$0x30];
	_ =	sdelay $0x4  }
0x51: {  	v51 =	vshrl.u32 v3, $0x3  }
0x52: {  	v4 =	vmul.u32 $0x30, v51  }
0x53: {  	v3 =	vand.u32 $0x7, v3  }
0x54: {  	v3 =	vor.u32 v3, v4  }
0x55: {  	v4 =	vperm.xlane v3, v0;
	_ =	sdelay $0x1  }
0x56: {  	v4 =	vadd.s32 v1, v4;
	_ =	sdelay $0x3  }
0x57: {  	s21 =	simm.s32 $0x9080;
	v3 =	vperm.xlane v3, v2  }
0x58: {  	[tilespmem:s21], [sflag:$0x1] =	stream.indirect_vreg.gather [hbm4b:s2+s3], $0x80, v4, vm0, $0xb8;
	[tilespmem:$0xC080] =	vst v63  }
0x59: {  	s22 =	simm.s32 $0x9880;
	v3 =	vadd.s32 v1, v3  }
0x5a: {  	[tilespmem:s22], [sflag:$0x1] =	stream.indirect_vreg.gather [hbm4b:s4+s3], $0x80, v4, vm0, $0xb8;
	[tilespmem:$0xC080] =	vst v63  }
0x5b: {  	s23 =	simm.s32 $0xA080  }
0x5c: {  	[tilespmem:s23], [sflag:$0x1] =	stream.indirect_vreg.gather [hbm4b:s5+s3], $0x80, v4, vm0, $0xb8;
	[tilespmem:$0xC080] =	vst v63  }
0x5d: {  	s24 =	simm.s32 $0xA880  }
0x5e: {  	[tilespmem:s24], [sflag:$0x1] =	stream.indirect_vreg.gather [hbm4b:s2+s3], $0x80, v3, vm0, $0xb8;
	[tilespmem:$0xC080] =	vst v63  }
0x5f: {  	s25 =	simm.s32 $0xB080  }
0x60: {  	[tilespmem:s25], [sflag:$0x1] =	stream.indirect_vreg.gather [hbm4b:s4+s3], $0x80, v3, vm0, $0xb8;
	[tilespmem:$0xC080] =	vst v63  }
0x61: {  	s26 =	simm.s32 $0xB880  }
0x62: {  	[tilespmem:s26], [sflag:$0x1] =	stream.indirect_vreg.gather [hbm4b:s5+s3], $0x80, v3, vm0, $0xb8;
	[tilespmem:$0xC080] =	vst v63  }
0x63: {  	_ =	swait.ge [sflag:s1], $0xC000  }
0x64: {  	[sflag:s1] =	ssyncset.done $0x0  }
0x65: {  	s28 =	rddreg [dreg:$0x5];
	[sflag:s1] =	ssyncadd.s32 $0xFFFF4000  }
0x66: {  	[hbm4b:s28+s3] =	stream.linear.scatter [tilespmem:s31], [sflag:$0x2], $0xC000, $0x38;
	[tilespmem:$0xC080] =	vst v63  }
0x67: {  	_ =	swait.ge [sflag:s7], $0xC000  }
0x68: {  	[sflag:s7] =	ssyncset.done $0x0  }
0x69: {  	s29 =	rddreg [dreg:$0x6];
	[sflag:s7] =	ssyncadd.s32 $0xFFFF4000  }
0x6a: {  	[tilespmem:s3], [sflag:$0x2] =	stream.linear.gather [hbm4b:s29+s3], $0x40, $0x38;
	[tilespmem:$0xC080] =	vst v63  }
0x6b: {  	_ =	swait.ge [sflag:s7], $0x40  }
0x6c: {  	[sflag:s7] =	ssyncset.done $0x0  }
0x6d: {  	[sflag:s7] =	ssyncadd.s32 $0xFFFFFFC0  }
0x6e: {  	v3 =	vld [tilespmem:$0x0];
	_ =	sdelay $0x4  }
0x6f: {  	v52 =	vshrl.u32 v3, $0x3  }
0x70: {  	v4 =	vmul.u32 $0x30, v52  }
0x71: {  	v3 =	vand.u32 $0x7, v3  }
0x72: {  	v3 =	vor.u32 v3, v4  }
0x73: {  	v4 =	vperm.xlane v3, v0;
	_ =	sdelay $0x1  }
0x74: {  	v4 =	vadd.s32 v1, v4;
	_ =	sdelay $0x3  }
0x75: {  	v3 =	vperm.xlane v3, v2  }
0x76: {  	[tilespmem:s31], [sflag:$0x1] =	stream.indirect_vreg.gather [hbm4b:s2+s3], $0x80, v4, vm0, $0xb8;
	[tilespmem:$0xC080] =	vst v63  }
0x77: {  	s0 =	simm.s32 $0x880;
	v3 =	vadd.s32 v1, v3  }
0x78: {  	[tilespmem:s0], [sflag:$0x1] =	stream.indirect_vreg.gather [hbm4b:s4+s3], $0x80, v4, vm0, $0xb8;
	[tilespmem:$0xC080] =	vst v63  }
0x79: {  	s8 =	simm.s32 $0x1080  }
0x7a: {  	[tilespmem:s8], [sflag:$0x1] =	stream.indirect_vreg.gather [hbm4b:s5+s3], $0x80, v4, vm0, $0xb8;
	[tilespmem:$0xC080] =	vst v63  }
0x7b: {  	s10 =	simm.s32 $0x1880  }
0x7c: {  	[tilespmem:s10], [sflag:$0x1] =	stream.indirect_vreg.gather [hbm4b:s2+s3], $0x80, v3, vm0, $0xb8;
	[tilespmem:$0xC080] =	vst v63  }
0x7d: {  	s11 =	simm.s32 $0x2080  }
0x7e: {  	[tilespmem:s11], [sflag:$0x1] =	stream.indirect_vreg.gather [hbm4b:s4+s3], $0x80, v3, vm0, $0xb8;
	[tilespmem:$0xC080] =	vst v63  }
0x7f: {  	s12 =	simm.s32 $0x2880  }
0x80: {  	[tilespmem:s12], [sflag:$0x1] =	stream.indirect_vreg.gather [hbm4b:s5+s3], $0x80, v3, vm0, $0xb8;
	[tilespmem:$0xC080] =	vst v63  }
0x81: {  	v3 =	vld [tilespmem:$0x10];
	_ =	sdelay $0x4  }
0x82: {  	v53 =	vshrl.u32 v3, $0x3  }
0x83: {  	v4 =	vmul.u32 $0x30, v53  }
0x84: {  	v3 =	vand.u32 $0x7, v3  }
0x85: {  	v3 =	vor.u32 v3, v4  }
0x86: {  	v4 =	vperm.xlane v3, v0;
	_ =	sdelay $0x1  }
0x87: {  	v4 =	vadd.s32 v1, v4;
	_ =	sdelay $0x3  }
0x88: {  	s13 =	simm.s32 $0x3080;
	v3 =	vperm.xlane v3, v2  }
0x89: {  	[tilespmem:s13], [sflag:$0x1] =	stream.indirect_vreg.gather [hbm4b:s2+s3], $0x80, v4, vm0, $0xb8;
	[tilespmem:$0xC080] =	vst v63  }
0x8a: {  	s14 =	simm.s32 $0x3880;
	v3 =	vadd.s32 v1, v3  }
0x8b: {  	[tilespmem:s14], [sflag:$0x1] =	stream.indirect_vreg.gather [hbm4b:s4+s3], $0x80, v4, vm0, $0xb8;
	[tilespmem:$0xC080] =	vst v63  }
0x8c: {  	s15 =	simm.s32 $0x4080  }
0x8d: {  	[tilespmem:s15], [sflag:$0x1] =	stream.indirect_vreg.gather [hbm4b:s5+s3], $0x80, v4, vm0, $0xb8;
	[tilespmem:$0xC080] =	vst v63  }
0x8e: {  	s16 =	simm.s32 $0x4880  }
0x8f: {  	[tilespmem:s16], [sflag:$0x1] =	stream.indirect_vreg.gather [hbm4b:s2+s3], $0x80, v3, vm0, $0xb8;
	[tilespmem:$0xC080] =	vst v63  }
0x90: {  	s17 =	simm.s32 $0x5080  }
0x91: {  	[tilespmem:s17], [sflag:$0x1] =	stream.indirect_vreg.gather [hbm4b:s4+s3], $0x80, v3, vm0, $0xb8;
	[tilespmem:$0xC080] =	vst v63  }
0x92: {  	s18 =	simm.s32 $0x5880  }
0x93: {  	[tilespmem:s18], [sflag:$0x1] =	stream.indirect_vreg.gather [hbm4b:s5+s3], $0x80, v3, vm0, $0xb8;
	[tilespmem:$0xC080] =	vst v63  }
0x94: {  	v3 =	vld [tilespmem:$0x20];
	_ =	sdelay $0x4  }
0x95: {  	v54 =	vshrl.u32 v3, $0x3  }
0x96: {  	v4 =	vmul.u32 $0x30, v54  }
0x97: {  	v3 =	vand.u32 $0x7, v3  }
0x98: {  	v3 =	vor.u32 v3, v4  }
0x99: {  	v4 =	vperm.xlane v3, v0;
	_ =	sdelay $0x1  }
0x9a: {  	v4 =	vadd.s32 v1, v4;
	_ =	sdelay $0x3  }
0x9b: {  	s19 =	simm.s32 $0x6080;
	v3 =	vperm.xlane v3, v2  }
0x9c: {  	[tilespmem:s19], [sflag:$0x1] =	stream.indirect_vreg.gather [hbm4b:s2+s3], $0x80, v4, vm0, $0xb8;
	[tilespmem:$0xC080] =	vst v63  }
0x9d: {  	s20 =	simm.s32 $0x6880;
	v3 =	vadd.s32 v1, v3  }
0x9e: {  	[tilespmem:s20], [sflag:$0x1] =	stream.indirect_vreg.gather [hbm4b:s4+s3], $0x80, v4, vm0, $0xb8;
	[tilespmem:$0xC080] =	vst v63  }
0x9f: {  	s21 =	simm.s32 $0x7080  }
0xa0: {  	[tilespmem:s21], [sflag:$0x1] =	stream.indirect_vreg.gather [hbm4b:s5+s3], $0x80, v4, vm0, $0xb8;
	[tilespmem:$0xC080] =	vst v63  }
0xa1: {  	s22 =	simm.s32 $0x7880  }
0xa2: {  	[tilespmem:s22], [sflag:$0x1] =	stream.indirect_vreg.gather [hbm4b:s2+s3], $0x80, v3, vm0, $0xb8;
	[tilespmem:$0xC080] =	vst v63  }
0xa3: {  	s23 =	simm.s32 $0x8080  }
0xa4: {  	[tilespmem:s23], [sflag:$0x1] =	stream.indirect_vreg.gather [hbm4b:s4+s3], $0x80, v3, vm0, $0xb8;
	[tilespmem:$0xC080] =	vst v63  }
0xa5: {  	s24 =	simm.s32 $0x8880  }
0xa6: {  	[tilespmem:s24], [sflag:$0x1] =	stream.indirect_vreg.gather [hbm4b:s5+s3], $0x80, v3, vm0, $0xb8;
	[tilespmem:$0xC080] =	vst v63  }
0xa7: {  	v3 =	vld [tilespmem:$0x30];
	_ =	sdelay $0x4  }
0xa8: {  	v55 =	vshrl.u32 v3, $0x3  }
0xa9: {  	v4 =	vmul.u32 $0x30, v55  }
0xaa: {  	v3 =	vand.u32 $0x7, v3  }
0xab: {  	v3 =	vor.u32 v3, v4  }
0xac: {  	v4 =	vperm.xlane v3, v0;
	_ =	sdelay $0x1  }
0xad: {  	v4 =	vadd.s32 v1, v4;
	_ =	sdelay $0x3  }
0xae: {  	s25 =	simm.s32 $0x9080;
	v3 =	vperm.xlane v3, v2  }
0xaf: {  	[tilespmem:s25], [sflag:$0x1] =	stream.indirect_vreg.gather [hbm4b:s2+s3], $0x80, v4, vm0, $0xb8;
	[tilespmem:$0xC080] =	vst v63  }
0xb0: {  	s26 =	simm.s32 $0x9880;
	v3 =	vadd.s32 v1, v3  }
0xb1: {  	[tilespmem:s26], [sflag:$0x1] =	stream.indirect_vreg.gather [hbm4b:s4+s3], $0x80, v4, vm0, $0xb8;
	[tilespmem:$0xC080] =	vst v63  }
0xb2: {  	s28 =	simm.s32 $0xA080  }
0xb3: {  	[tilespmem:s28], [sflag:$0x1] =	stream.indirect_vreg.gather [hbm4b:s5+s3], $0x80, v4, vm0, $0xb8;
	[tilespmem:$0xC080] =	vst v63  }
0xb4: {  	s29 =	simm.s32 $0xA880  }
0xb5: {  	[tilespmem:s29], [sflag:$0x1] =	stream.indirect_vreg.gather [hbm4b:s2+s3], $0x80, v3, vm0, $0xb8;
	[tilespmem:$0xC080] =	vst v63  }
0xb6: {  	s9 =	simm.s32 $0xB080  }
0xb7: {  	[tilespmem:s9], [sflag:$0x1] =	stream.indirect_vreg.gather [hbm4b:s4+s3], $0x80, v3, vm0, $0xb8;
	[tilespmem:$0xC080] =	vst v63  }
0xb8: {  	s30 =	simm.s32 $0xB880  }
0xb9: {  	[tilespmem:s30], [sflag:$0x1] =	stream.indirect_vreg.gather [hbm4b:s5+s3], $0x80, v3, vm0, $0xb8;
	[tilespmem:$0xC080] =	vst v63  }
0xba: {  	_ =	swait.ge [sflag:s1], $0xC000  }
0xbb: {  	[sflag:s1] =	ssyncset.done $0x0  }
0xbc: {  	s30 =	rddreg [dreg:$0x7];
	[sflag:s1] =	ssyncadd.s32 $0xFFFF4000  }
0xbd: {  	[hbm4b:s30+s3] =	stream.linear.scatter [tilespmem:s31], [sflag:$0x2], $0xC000, $0x38;
	[tilespmem:$0xC080] =	vst v63  }
0xbe: {  	_ =	swait.ge [sflag:s7], $0xC000  }
0xbf: {  	[sflag:s7] =	ssyncset.done $0x0  }
0xc0: {  	s30 =	rddreg [dreg:$0x8];
	[sflag:s7] =	ssyncadd.s32 $0xFFFF4000  }
0xc1: {  	[tilespmem:s3], [sflag:$0x2] =	stream.linear.gather [hbm4b:s30+s3], $0x40, $0x38;
	[tilespmem:$0xC080] =	vst v63  }
0xc2: {  	_ =	swait.ge [sflag:s7], $0x40  }
0xc3: {  	[sflag:s7] =	ssyncset.done $0x0  }
0xc4: {  	[sflag:s7] =	ssyncadd.s32 $0xFFFFFFC0  }
0xc5: {  	v3 =	vld [tilespmem:$0x0];
	_ =	sdelay $0x4  }
0xc6: {  	v56 =	vshrl.u32 v3, $0x3  }
0xc7: {  	v4 =	vmul.u32 $0x30, v56  }
0xc8: {  	v3 =	vand.u32 $0x7, v3  }
0xc9: {  	v3 =	vor.u32 v3, v4  }
0xca: {  	v4 =	vperm.xlane v3, v0;
	_ =	sdelay $0x1  }
0xcb: {  	v4 =	vadd.s32 v1, v4;
	_ =	sdelay $0x3  }
0xcc: {  	v3 =	vperm.xlane v3, v2  }
0xcd: {  	[tilespmem:s31], [sflag:$0x1] =	stream.indirect_vreg.gather [hbm4b:s2+s3], $0x80, v4, vm0, $0xb8;
	[tilespmem:$0xC080] =	vst v63  }
0xce: {  	v3 =	vadd.s32 v1, v3  }
0xcf: {  	[tilespmem:s0], [sflag:$0x1] =	stream.indirect_vreg.gather [hbm4b:s4+s3], $0x80, v4, vm0, $0xb8;
	[tilespmem:$0xC080] =	vst v63  }
0xd0: {  	_ = 	snop  }
0xd1: {  	[tilespmem:s8], [sflag:$0x1] =	stream.indirect_vreg.gather [hbm4b:s5+s3], $0x80, v4, vm0, $0xb8;
	[tilespmem:$0xC080] =	vst v63  }
0xd2: {  	_ = 	snop  }
0xd3: {  	[tilespmem:s10], [sflag:$0x1] =	stream.indirect_vreg.gather [hbm4b:s2+s3], $0x80, v3, vm0, $0xb8;
	[tilespmem:$0xC080] =	vst v63  }
0xd4: {  	_ = 	snop  }
0xd5: {  	[tilespmem:s11], [sflag:$0x1] =	stream.indirect_vreg.gather [hbm4b:s4+s3], $0x80, v3, vm0, $0xb8;
	[tilespmem:$0xC080] =	vst v63  }
0xd6: {  	_ = 	snop  }
0xd7: {  	[tilespmem:s12], [sflag:$0x1] =	stream.indirect_vreg.gather [hbm4b:s5+s3], $0x80, v3, vm0, $0xb8;
	[tilespmem:$0xC080] =	vst v63  }
0xd8: {  	v3 =	vld [tilespmem:$0x10];
	_ =	sdelay $0x4  }
0xd9: {  	v57 =	vshrl.u32 v3, $0x3  }
0xda: {  	v4 =	vmul.u32 $0x30, v57  }
0xdb: {  	v3 =	vand.u32 $0x7, v3  }
0xdc: {  	v3 =	vor.u32 v3, v4  }
0xdd: {  	v4 =	vperm.xlane v3, v0;
	_ =	sdelay $0x1  }
0xde: {  	v4 =	vadd.s32 v1, v4;
	_ =	sdelay $0x3  }
0xdf: {  	v3 =	vperm.xlane v3, v2  }
0xe0: {  	[tilespmem:s13], [sflag:$0x1] =	stream.indirect_vreg.gather [hbm4b:s2+s3], $0x80, v4, vm0, $0xb8;
	[tilespmem:$0xC080] =	vst v63  }
0xe1: {  	v3 =	vadd.s32 v1, v3  }
0xe2: {  	[tilespmem:s14], [sflag:$0x1] =	stream.indirect_vreg.gather [hbm4b:s4+s3], $0x80, v4, vm0, $0xb8;
	[tilespmem:$0xC080] =	vst v63  }
0xe3: {  	_ = 	snop  }
0xe4: {  	[tilespmem:s15], [sflag:$0x1] =	stream.indirect_vreg.gather [hbm4b:s5+s3], $0x80, v4, vm0, $0xb8;
	[tilespmem:$0xC080] =	vst v63  }
0xe5: {  	_ = 	snop  }
0xe6: {  	[tilespmem:s16], [sflag:$0x1] =	stream.indirect_vreg.gather [hbm4b:s2+s3], $0x80, v3, vm0, $0xb8;
	[tilespmem:$0xC080] =	vst v63  }
0xe7: {  	_ = 	snop  }
0xe8: {  	[tilespmem:s17], [sflag:$0x1] =	stream.indirect_vreg.gather [hbm4b:s4+s3], $0x80, v3, vm0, $0xb8;
	[tilespmem:$0xC080] =	vst v63  }
0xe9: {  	_ = 	snop  }
0xea: {  	[tilespmem:s18], [sflag:$0x1] =	stream.indirect_vreg.gather [hbm4b:s5+s3], $0x80, v3, vm0, $0xb8;
	[tilespmem:$0xC080] =	vst v63  }
0xeb: {  	v3 =	vld [tilespmem:$0x20];
	_ =	sdelay $0x4  }
0xec: {  	v58 =	vshrl.u32 v3, $0x3  }
0xed: {  	v4 =	vmul.u32 $0x30, v58  }
0xee: {  	v3 =	vand.u32 $0x7, v3  }
0xef: {  	v3 =	vor.u32 v3, v4  }
0xf0: {  	v4 =	vperm.xlane v3, v0;
	_ =	sdelay $0x1  }
0xf1: {  	v4 =	vadd.s32 v1, v4;
	_ =	sdelay $0x3  }
0xf2: {  	v3 =	vperm.xlane v3, v2  }
0xf3: {  	[tilespmem:s19], [sflag:$0x1] =	stream.indirect_vreg.gather [hbm4b:s2+s3], $0x80, v4, vm0, $0xb8;
	[tilespmem:$0xC080] =	vst v63  }
0xf4: {  	v3 =	vadd.s32 v1, v3  }
0xf5: {  	[tilespmem:s20], [sflag:$0x1] =	stream.indirect_vreg.gather [hbm4b:s4+s3], $0x80, v4, vm0, $0xb8;
	[tilespmem:$0xC080] =	vst v63  }
0xf6: {  	_ = 	snop  }
0xf7: {  	[tilespmem:s21], [sflag:$0x1] =	stream.indirect_vreg.gather [hbm4b:s5+s3], $0x80, v4, vm0, $0xb8;
	[tilespmem:$0xC080] =	vst v63  }
0xf8: {  	_ = 	snop  }
0xf9: {  	[tilespmem:s22], [sflag:$0x1] =	stream.indirect_vreg.gather [hbm4b:s2+s3], $0x80, v3, vm0, $0xb8;
	[tilespmem:$0xC080] =	vst v63  }
0xfa: {  	_ = 	snop  }
0xfb: {  	[tilespmem:s23], [sflag:$0x1] =	stream.indirect_vreg.gather [hbm4b:s4+s3], $0x80, v3, vm0, $0xb8;
	[tilespmem:$0xC080] =	vst v63  }
0xfc: {  	_ = 	snop  }
0xfd: {  	[tilespmem:s24], [sflag:$0x1] =	stream.indirect_vreg.gather [hbm4b:s5+s3], $0x80, v3, vm0, $0xb8;
	[tilespmem:$0xC080] =	vst v63  }
0xfe: {  	v3 =	vld [tilespmem:$0x30];
	_ =	sdelay $0x4  }
0xff: {  	v59 =	vshrl.u32 v3, $0x3  }
0x100: {  	v4 =	vmul.u32 $0x30, v59  }
0x101: {  	v3 =	vand.u32 $0x7, v3  }
0x102: {  	v3 =	vor.u32 v3, v4  }
0x103: {  	v4 =	vperm.xlane v3, v0;
	_ =	sdelay $0x1  }
0x104: {  	v4 =	vadd.s32 v1, v4;
	_ =	sdelay $0x3  }
0x105: {  	v3 =	vperm.xlane v3, v2  }
0x106: {  	[tilespmem:s25], [sflag:$0x1] =	stream.indirect_vreg.gather [hbm4b:s2+s3], $0x80, v4, vm0, $0xb8;
	[tilespmem:$0xC080] =	vst v63  }
0x107: {  	v3 =	vadd.s32 v1, v3  }
0x108: {  	[tilespmem:s26], [sflag:$0x1] =	stream.indirect_vreg.gather [hbm4b:s4+s3], $0x80, v4, vm0, $0xb8;
	[tilespmem:$0xC080] =	vst v63  }
0x109: {  	_ = 	snop  }
0x10a: {  	[tilespmem:s28], [sflag:$0x1] =	stream.indirect_vreg.gather [hbm4b:s5+s3], $0x80, v4, vm0, $0xb8;
	[tilespmem:$0xC080] =	vst v63  }
0x10b: {  	_ = 	snop  }
0x10c: {  	[tilespmem:s29], [sflag:$0x1] =	stream.indirect_vreg.gather [hbm4b:s2+s3], $0x80, v3, vm0, $0xb8;
	[tilespmem:$0xC080] =	vst v63  }
0x10d: {  	s30 =	simm.s32 $0xB080  }
0x10e: {  	[tilespmem:s30], [sflag:$0x1] =	stream.indirect_vreg.gather [hbm4b:s4+s3], $0x80, v3, vm0, $0xb8;
	[tilespmem:$0xC080] =	vst v63  }
0x10f: {  	s9 =	simm.s32 $0xB880  }
0x110: {  	[tilespmem:s9], [sflag:$0x1] =	stream.indirect_vreg.gather [hbm4b:s5+s3], $0x80, v3, vm0, $0xb8;
	[tilespmem:$0xC080] =	vst v63  }
0x111: {  	_ =	swait.ge [sflag:s1], $0xC000  }
0x112: {  	[sflag:s1] =	ssyncset.done $0x0  }
0x113: {  	s9 =	rddreg [dreg:$0x9];
	[sflag:s1] =	ssyncadd.s32 $0xFFFF4000  }
0x114: {  	[hbm4b:s9+s3] =	stream.linear.scatter [tilespmem:s31], [sflag:$0x2], $0xC000, $0x38;
	[tilespmem:$0xC080] =	vst v63  }
0x115: {  	_ =	swait.ge [sflag:s7], $0xC000  }
0x116: {  	[sflag:s7] =	ssyncset.done $0x0  }
0x117: {  	s9 =	rddreg [dreg:$0xa];
	[sflag:s7] =	ssyncadd.s32 $0xFFFF4000  }
0x118: {  	[tilespmem:s3], [sflag:$0x2] =	stream.linear.gather [hbm4b:s9+s3], $0x40, $0x38;
	[tilespmem:$0xC080] =	vst v63  }
0x119: {  	_ =	swait.ge [sflag:s7], $0x40  }
0x11a: {  	[sflag:s7] =	ssyncset.done $0x0  }
0x11b: {  	[sflag:s7] =	ssyncadd.s32 $0xFFFFFFC0  }
0x11c: {  	v3 =	vld [tilespmem:$0x0];
	_ =	sdelay $0x4  }
0x11d: {  	v60 =	vshrl.u32 v3, $0x3  }
0x11e: {  	v4 =	vmul.u32 $0x30, v60  }
0x11f: {  	v3 =	vand.u32 $0x7, v3  }
0x120: {  	v3 =	vor.u32 v3, v4  }
0x121: {  	v4 =	vperm.xlane v3, v0;
	_ =	sdelay $0x1  }
0x122: {  	v4 =	vadd.s32 v1, v4;
	_ =	sdelay $0x3  }
0x123: {  	v3 =	vperm.xlane v3, v2  }
0x124: {  	[tilespmem:s31], [sflag:$0x1] =	stream.indirect_vreg.gather [hbm4b:s2+s3], $0x80, v4, vm0, $0xb8;
	[tilespmem:$0xC080] =	vst v63  }
0x125: {  	s0 =	simm.s32 $0x880;
	v3 =	vadd.s32 v1, v3  }
0x126: {  	[tilespmem:s0], [sflag:$0x1] =	stream.indirect_vreg.gather [hbm4b:s4+s3], $0x80, v4, vm0, $0xb8;
	[tilespmem:$0xC080] =	vst v63  }
0x127: {  	s8 =	simm.s32 $0x1080  }
0x128: {  	[tilespmem:s8], [sflag:$0x1] =	stream.indirect_vreg.gather [hbm4b:s5+s3], $0x80, v4, vm0, $0xb8;
	[tilespmem:$0xC080] =	vst v63  }
0x129: {  	s10 =	simm.s32 $0x1880  }
0x12a: {  	[tilespmem:s10], [sflag:$0x1] =	stream.indirect_vreg.gather [hbm4b:s2+s3], $0x80, v3, vm0, $0xb8;
	[tilespmem:$0xC080] =	vst v63  }
0x12b: {  	s11 =	simm.s32 $0x2080  }
0x12c: {  	[tilespmem:s11], [sflag:$0x1] =	stream.indirect_vreg.gather [hbm4b:s4+s3], $0x80, v3, vm0, $0xb8;
	[tilespmem:$0xC080] =	vst v63  }
0x12d: {  	s12 =	simm.s32 $0x2880  }
0x12e: {  	[tilespmem:s12], [sflag:$0x1] =	stream.indirect_vreg.gather [hbm4b:s5+s3], $0x80, v3, vm0, $0xb8;
	[tilespmem:$0xC080] =	vst v63  }
0x12f: {  	v3 =	vld [tilespmem:$0x10];
	_ =	sdelay $0x4  }
0x130: {  	v61 =	vshrl.u32 v3, $0x3  }
0x131: {  	v4 =	vmul.u32 $0x30, v61  }
0x132: {  	v3 =	vand.u32 $0x7, v3  }
0x133: {  	v3 =	vor.u32 v3, v4  }
0x134: {  	v4 =	vperm.xlane v3, v0;
	_ =	sdelay $0x1  }
0x135: {  	v4 =	vadd.s32 v1, v4;
	_ =	sdelay $0x3  }
0x136: {  	s13 =	simm.s32 $0x3080;
	v3 =	vperm.xlane v3, v2  }
0x137: {  	[tilespmem:s13], [sflag:$0x1] =	stream.indirect_vreg.gather [hbm4b:s2+s3], $0x80, v4, vm0, $0xb8;
	[tilespmem:$0xC080] =	vst v63  }
0x138: {  	s14 =	simm.s32 $0x3880;
	v3 =	vadd.s32 v1, v3  }
0x139: {  	[tilespmem:s14], [sflag:$0x1] =	stream.indirect_vreg.gather [hbm4b:s4+s3], $0x80, v4, vm0, $0xb8;
	[tilespmem:$0xC080] =	vst v63  }
0x13a: {  	s15 =	simm.s32 $0x4080  }
0x13b: {  	[tilespmem:s15], [sflag:$0x1] =	stream.indirect_vreg.gather [hbm4b:s5+s3], $0x80, v4, vm0, $0xb8;
	[tilespmem:$0xC080] =	vst v63  }
0x13c: {  	s16 =	simm.s32 $0x4880  }
0x13d: {  	[tilespmem:s16], [sflag:$0x1] =	stream.indirect_vreg.gather [hbm4b:s2+s3], $0x80, v3, vm0, $0xb8;
	[tilespmem:$0xC080] =	vst v63  }
0x13e: {  	s17 =	simm.s32 $0x5080  }
0x13f: {  	[tilespmem:s17], [sflag:$0x1] =	stream.indirect_vreg.gather [hbm4b:s4+s3], $0x80, v3, vm0, $0xb8;
	[tilespmem:$0xC080] =	vst v63  }
0x140: {  	s18 =	simm.s32 $0x5880  }
0x141: {  	[tilespmem:s18], [sflag:$0x1] =	stream.indirect_vreg.gather [hbm4b:s5+s3], $0x80, v3, vm0, $0xb8;
	[tilespmem:$0xC080] =	vst v63  }
0x142: {  	v3 =	vld [tilespmem:$0x20];
	_ =	sdelay $0x4  }
0x143: {  	v62 =	vshrl.u32 v3, $0x3  }
0x144: {  	v4 =	vmul.u32 $0x30, v62  }
0x145: {  	v3 =	vand.u32 $0x7, v3  }
0x146: {  	v3 =	vor.u32 v3, v4  }
0x147: {  	v4 =	vperm.xlane v3, v0;
	_ =	sdelay $0x1  }
0x148: {  	v4 =	vadd.s32 v1, v4;
	_ =	sdelay $0x3  }
0x149: {  	s19 =	simm.s32 $0x6080;
	v3 =	vperm.xlane v3, v2  }
0x14a: {  	[tilespmem:s19], [sflag:$0x1] =	stream.indirect_vreg.gather [hbm4b:s2+s3], $0x80, v4, vm0, $0xb8;
	[tilespmem:$0xC080] =	vst v63  }
0x14b: {  	s20 =	simm.s32 $0x6880;
	v3 =	vadd.s32 v1, v3  }
0x14c: {  	[tilespmem:s20], [sflag:$0x1] =	stream.indirect_vreg.gather [hbm4b:s4+s3], $0x80, v4, vm0, $0xb8;
	[tilespmem:$0xC080] =	vst v63  }
0x14d: {  	s21 =	simm.s32 $0x7080  }
0x14e: {  	[tilespmem:s21], [sflag:$0x1] =	stream.indirect_vreg.gather [hbm4b:s5+s3], $0x80, v4, vm0, $0xb8;
	[tilespmem:$0xC080] =	vst v63  }
0x14f: {  	s22 =	simm.s32 $0x7880  }
0x150: {  	[tilespmem:s22], [sflag:$0x1] =	stream.indirect_vreg.gather [hbm4b:s2+s3], $0x80, v3, vm0, $0xb8;
	[tilespmem:$0xC080] =	vst v63  }
0x151: {  	s23 =	simm.s32 $0x8080  }
0x152: {  	[tilespmem:s23], [sflag:$0x1] =	stream.indirect_vreg.gather [hbm4b:s4+s3], $0x80, v3, vm0, $0xb8;
	[tilespmem:$0xC080] =	vst v63  }
0x153: {  	s24 =	simm.s32 $0x8880  }
0x154: {  	[tilespmem:s24], [sflag:$0x1] =	stream.indirect_vreg.gather [hbm4b:s5+s3], $0x80, v3, vm0, $0xb8;
	[tilespmem:$0xC080] =	vst v63  }
0x155: {  	v3 =	vld [tilespmem:$0x30];
	_ =	sdelay $0x4  }
0x156: {  	v63 =	vshrl.u32 v3, $0x3  }
0x157: {  	v4 =	vmul.u32 $0x30, v63  }
0x158: {  	v3 =	vand.u32 $0x7, v3  }
0x159: {  	v3 =	vor.u32 v3, v4  }
0x15a: {  	v4 =	vperm.xlane v3, v0;
	_ =	sdelay $0x1  }
0x15b: {  	v4 =	vadd.s32 v1, v4;
	_ =	sdelay $0x3  }
0x15c: {  	s25 =	simm.s32 $0x9080;
	v3 =	vperm.xlane v3, v2  }
0x15d: {  	[tilespmem:s25], [sflag:$0x1] =	stream.indirect_vreg.gather [hbm4b:s2+s3], $0x80, v4, vm0, $0xb8;
	[tilespmem:$0xC080] =	vst v63  }
0x15e: {  	s26 =	simm.s32 $0x9880;
	v3 =	vadd.s32 v1, v3  }
0x15f: {  	[tilespmem:s26], [sflag:$0x1] =	stream.indirect_vreg.gather [hbm4b:s4+s3], $0x80, v4, vm0, $0xb8;
	[tilespmem:$0xC080] =	vst v63  }
0x160: {  	s28 =	simm.s32 $0xA080  }
0x161: {  	[tilespmem:s28], [sflag:$0x1] =	stream.indirect_vreg.gather [hbm4b:s5+s3], $0x80, v4, vm0, $0xb8;
	[tilespmem:$0xC080] =	vst v63  }
0x162: {  	s29 =	simm.s32 $0xA880  }
0x163: {  	[tilespmem:s29], [sflag:$0x1] =	stream.indirect_vreg.gather [hbm4b:s2+s3], $0x80, v3, vm0, $0xb8;
	[tilespmem:$0xC080] =	vst v63  }
0x164: {  	s30 =	simm.s32 $0xB080  }
0x165: {  	[tilespmem:s30], [sflag:$0x1] =	stream.indirect_vreg.gather [hbm4b:s4+s3], $0x80, v3, vm0, $0xb8;
	[tilespmem:$0xC080] =	vst v63  }
0x166: {  	s29 =	simm.s32 $0xB880  }
0x167: {  	[tilespmem:s29], [sflag:$0x1] =	stream.indirect_vreg.gather [hbm4b:s5+s3], $0x80, v3, vm0, $0xb8;
	[tilespmem:$0xC080] =	vst v63  }
0x168: {  	_ =	swait.ge [sflag:s1], $0xC000  }
0x169: {  	p0 =	sne.s32 s6, $0x1;
	[sflag:s1] =	ssyncset.done $0x0  }
.Ltmp0:
0x16a: {  	s30 =	rddreg [dreg:$0xb];
	[sflag:s1] =	ssyncadd.s32 $0xFFFF4000;
	(pc) =	sbr.rel @p0 .LBB2_1-.Ltmp0, $4  }
0x16b: {  	[hbm4b:s30+s3] =	stream.linear.scatter [tilespmem:s31], [sflag:$0x2], $0xC000, $0x38;
	[tilespmem:$0xC080] =	vst v63  }
0x16c: {  	_ =	swait.ge [sflag:s7], $0xC000  }
0x16d: {  	[sflag:s7] =	ssyncset.done $0x0  }
0x16e: {  	s6 =	sadd.s32 $0xFFFFFFFF, s6;
	[sflag:s7] =	ssyncadd.s32 $0xFFFF4000  }
0x16f: {  	_ =	sfence.sel $0x180000  }
0x170: {  	[bflag:$0x0] =	sbarrier.arrive $0xFFFF  }
0x171: {  	_ =	strace $0x90000047  }
0x172: {  	s0 =	stileid.u32;
	[bflag:$0x2] =	sbarrier.arrive $0xFFFF  }
0x173: {  	p0 =	sne.s32 s0, $0x0;
	s0 =	rddreg [dreg:$0x3]  }
0x174: {  	s0 =	sadd.s32 @!p0 $0x100000, s0  }
0x175: {  	[sflag:s0] =	ssyncadd.tile.s32 @!p0 $0x1;
	_ =	shalt  }
.Lfunc_end2:
_tile_overlayer_lowered:
.L_overlay_start_2:
0x176: {  	(tag) =	ssettag $0x2  }
0x177: {  	s0 =	rddreg [dreg:$0x0];
	s2 =	stileid.u32  }
0x178: {  	s1 =	rddreg [dreg:$0x1];
	p0 =	sne.s32 s2, $0x0  }
0x179: {  	s3 =	rddreg [dreg:$0x2];
	[bflag:$0x3] =	sbarrier.arrive $0xFFFF;
	s2 =	simm.s32 @!p0 $0x1C02  }
0x17a: {  	[timem:s3], [sflag:s2] =	dma.local @!p0 [hbm:s0], s1  }
0x17b: {  	s0 =	simm.s32 @!p0 $0x2  }
0x17c: {  	_ =	swait.ge @!p0 [sflag:s0], s1  }
0x17d: {  	s1 =	ssub.s32 @!p0 $0x0, s1;
	[sflag:s0] =	ssyncset.done @!p0 $0x0  }
0x17e: {  	[sflag:s0] =	ssyncadd.s32 @!p0 s1  }
0x17f: {  	[bflag:$0x3] =	sbarrier.arrive $0xFFFF  }
0x180: {  	_ =	shalt  }

// kernel: kernel.8.cloned.1.call-start
scs
__scs_entry_jumppad:
0x0: {  	(pc) =	sbr.rel $0x88, $3  }
0x1: {  	(tag) =	ssettag $0x0;
	lr =	simm.s32 $0x1  }
0x2: {  	[smem:$0x3F9D] =	sst lr;
	_ =	strace $0xD0000000  }
0x3: {  	_ = 	snop  }
0x4: {  	_ = 	snop  }
0x5: {  	_ = 	snop  }
0x6: {  	_ = 	snop  }
0x7: {  	_ = 	snop  }
__scs_overlays_trampoline_lowered:
0x8: {  	[smem:$0x3FAC] =	sst s0  }
0x9: {  	[smem:$0x3FAD] =	sst s1  }
0xa: {  	[smem:$0x3FAE] =	sst s2  }
0xb: {  	[smem:$0x3FAF] =	sst s3  }
0xc: {  	[smem:$0x3FB0] =	sst s4  }
0xd: {  	[smem:$0x3FB1] =	sst s5  }
0xe: {  	[smem:$0x3FB2] =	sst s6  }
0xf: {  	[smem:$0x3FB3] =	sst s7  }
0x10: {  	[smem:$0x3FB4] =	sst s8  }
0x11: {  	[smem:$0x3FB5] =	sst s9;
	s0 =	simm.s32 @!p0 $0x0  }
0x12: {  	s1 =	sld [smem:$0x3F9B];
	s0 =	simm.s32 @p0 $0x1  }
0x13: {  	[smem:$0x3FB6] =	sst s0;
	s0 =	simm.s32 @!p1 $0x0  }
0x14: {  	s2 =	sld [smem:$0x3F9A];
	s0 =	simm.s32 @p1 $0x1  }
0x15: {  	[smem:$0x3FB7] =	sst s0;
	s0 =	simm.s32 @!p2 $0x0  }
0x16: {  	s3 =	sld [smem:$0x3FDB];
	s0 =	simm.s32 @p2 $0x1  }
0x17: {  	s4 =	simm.s32 $0x1BF5;
	[smem:$0x3FB9] =	sst s0  }
0x18: {  	s0 =	sld [smem:$0x3F9C];
	_ =	swait.ge [sflag:s4], $0x0  }
0x19: {  	s7 =	sld [smem:$0x3F9D]  }
0x1a: {  	s8 =	sadd.s32 $0xFFFFE003, lr  }
0x1b: {  	s9 =	sadd.s32 $0xFFFFFEF7, lr;
	s5 =	simm.s32 $0xFFFFFFFF;
	p2 =	slt.u32 s8, $0xFFFFF086  }
0x1c: {  	p1 =	slt.u32 s9, $0xF7A;
	s5 =	simm.s32 @!p2 $0x0  }
0x1d: {  	s5 =	simm.s32 @p1 $0x1;
	p0 =	seq.s32 s7, s2  }
0x1e: {  	s7 =	smul.u32 @!p0 $0xF7A, s2;
	p2 =	seq.s32 @!p0 s5, $0x0  }
0x1f: {  	s9 =	smul.u32 $0xF7A, s1;
	s8 =	simm.s32 @!p0 $0x1BF5;
	p2 =	por !p2, p0  }
0x20: {  	[sflag:s8] =	ssyncset.s32 @!p0 $0xFFFFF086;
	s6 =	sadd.s32 @!p0 s3, s7;
	s7 =	simm.s32 @!p0 $0x108  }
0x21: {  	s3 =	sadd.s32 s3, s9;
	s6 =	sadd.s32 @!p0 $0x88, s6;
	s7 =	simm.s32 @p2 $0x1082  }
0x22: {  	[simem:s7], [sflag:s8] =	dma.local @!p0 [hbm:s6], $0xF7A  }
0x23: {  	s9 =	sor.u32 $0xD0000000, s2;
	s6 =	simm.s32 $0x108;
	_ =	swait.ge @!p0 [sflag:s8], $0x0  }
0x24: {  	s3 =	sadd.s32 $0x88, s3;
	s6 =	simm.s32 @!p1 $0x1082;
	[sflag:s4] =	ssyncset.s32 $0xFFFFF086  }
0x25: {  	[simem:s6], [sflag:s4] =	dma.local [hbm:s3], $0xF7A  }
0x26: {  	[smem:$0x3F9D] =	sst s1;
	(tag) =	ssettag s2;
	_ =	strace s9  }
0x27: {  	s1 =	sld [smem:$0x3FAD]  }
0x28: {  	s2 =	sld [smem:$0x3FAE]  }
0x29: {  	s4 =	sld [smem:$0x3FB0]  }
0x2a: {  	p0 =	seq.s32 s5, $0x0;
	s5 =	sld [smem:$0x3FB1]  }
0x2b: {  	s6 =	sld [smem:$0x3FB2]  }
0x2c: {  	s7 =	sld [smem:$0x3FB3]  }
0x2d: {  	s3 =	simm.s32 $0x108;
	s8 =	sld [smem:$0x3FB4]  }
0x2e: {  	s3 =	simm.s32 @!p0 $0x1082;
	s9 =	sld [smem:$0x3FB5]  }
0x2f: {  	lr =	sadd.s32 s0, s3;
	s0 =	sld [smem:$0x3FAC]  }
0x30: {  	s3 =	sld [smem:$0x3FAF]  }
0x31: {  	[smem:$0x3FB8] =	sst s10  }
0x32: {  	s10 =	sld [smem:$0x3FB6];
	_ =	sdelay $0x3  }
0x33: {  	p0 =	seq.s32 s10, $0x1;
	s10 =	sld [smem:$0x3FB8];
	_ =	sdelay $0x3  }
0x34: {  	[smem:$0x3FB8] =	sst s10  }
0x35: {  	s10 =	sld [smem:$0x3FB7];
	_ =	sdelay $0x3  }
0x36: {  	p1 =	seq.s32 s10, $0x1;
	s10 =	sld [smem:$0x3FB8];
	_ =	sdelay $0x3  }
0x37: {  	[smem:$0x3FB8] =	sst s10  }
0x38: {  	s10 =	sld [smem:$0x3FB9]  }
0x39: {  	_ = 	snop;
	(pc) =	sbr.ind lr, $3  }
0x3a: {  	_ = 	snop  }
0x3b: {  	_ = 	snop  }
0x3c: {  	p2 =	seq.s32 s10, $0x1;
	s10 =	sld [smem:$0x3FB8]  }
0x3d: {  	_ =	shalt  }
0x3e: {  	_ =	shalt  }
0x3f: {  	_ =	shalt  }
0x40: {  	_ =	shalt  }
0x41: {  	_ =	shalt  }
0x42: {  	_ =	shalt  }
0x43: {  	_ =	shalt  }
0x44: {  	_ =	shalt  }
0x45: {  	_ =	shalt  }
0x46: {  	_ =	shalt  }
0x47: {  	_ =	shalt  }
0x48: {  	_ =	shalt  }
0x49: {  	_ =	shalt  }
0x4a: {  	_ =	shalt  }
0x4b: {  	_ =	shalt  }
0x4c: {  	_ =	shalt  }
0x4d: {  	_ =	shalt  }
0x4e: {  	_ =	shalt  }
0x4f: {  	_ =	shalt  }
0x50: {  	_ =	shalt  }
0x51: {  	_ =	shalt  }
0x52: {  	_ =	shalt  }
0x53: {  	_ =	shalt  }
0x54: {  	_ =	shalt  }
0x55: {  	_ =	shalt  }
0x56: {  	_ =	shalt  }
0x57: {  	_ =	shalt  }
0x58: {  	_ =	shalt  }
0x59: {  	_ =	shalt  }
0x5a: {  	_ =	shalt  }
0x5b: {  	_ =	shalt  }
0x5c: {  	_ =	shalt  }
0x5d: {  	_ =	shalt  }
0x5e: {  	_ =	shalt  }
0x5f: {  	_ =	shalt  }
0x60: {  	_ =	shalt  }
0x61: {  	_ =	shalt  }
0x62: {  	_ =	shalt  }
0x63: {  	_ =	shalt  }
0x64: {  	_ =	shalt  }
0x65: {  	_ =	shalt  }
0x66: {  	_ =	shalt  }
0x67: {  	_ =	shalt  }
0x68: {  	_ =	shalt  }
0x69: {  	_ =	shalt  }
0x6a: {  	_ =	shalt  }
0x6b: {  	_ =	shalt  }
0x6c: {  	_ =	shalt  }
0x6d: {  	_ =	shalt  }
0x6e: {  	_ =	shalt  }
0x6f: {  	_ =	shalt  }
0x70: {  	_ =	shalt  }
0x71: {  	_ =	shalt  }
0x72: {  	_ =	shalt  }
0x73: {  	_ =	shalt  }
0x74: {  	_ =	shalt  }
0x75: {  	_ =	shalt  }
0x76: {  	_ =	shalt  }
0x77: {  	_ =	shalt  }
0x78: {  	_ =	shalt  }
0x79: {  	_ =	shalt  }
0x7a: {  	_ =	shalt  }
0x7b: {  	_ =	shalt  }
0x7c: {  	_ =	shalt  }
0x7d: {  	_ =	shalt  }
0x7e: {  	_ =	shalt  }
0x7f: {  	_ =	shalt  }
0x80: {  	_ =	shalt  }
0x81: {  	_ =	shalt  }
0x82: {  	_ =	shalt  }
0x83: {  	_ =	shalt  }
0x84: {  	_ =	shalt  }
0x85: {  	_ =	shalt  }
0x86: {  	_ =	shalt  }
0x87: {  	_ =	shalt  }
.Lfunc_end0:
.L_simem_size_0:
called_computation.1_lowered:
.L_overlay_start_0:
0x88: {  	s2 =	sld [smem:$0x3FD9]  }
0x89: {  	s3 =	sld [smem:$0x3FFE];
	_ =	sdelay $0x1  }
0x8a: {  	s1 =	srdreg.scid  }
0x8b: {  	s0 =	sand.u32 $0x1, s1  }
0x8c: {  	s17 =	sshll.u32 s0, $0xA;
	s2 =	sadd.s32 s3, s2  }
0x8d: {  	s2 =	sadd.s32 s2, s17  }
0x8e: {  	[smem:$0x3FC4] =	sst s2  }
0x8f: {  	_ = 	snop  }
0x90: {  	s2 =	sld [smem:$0x3FC6]  }
0x91: {  	s18 =	sld [smem:$0x3FD0];
	(tm) =	ssettm $0x1  }
0x92: {  	s4 =	sld [smem:$0x3FFB];
	_ =	sdelay $0x3  }
0x93: {  	_ =	strace s4  }
0x94: {  	s4 =	sld [smem:$0x3FFC];
	_ =	sdelay $0x3  }
0x95: {  	_ =	strace s4  }
0x96: {  	s4 =	sld [smem:$0x3FFD];
	_ =	sdelay $0x3  }
0x97: {  	_ =	strace s4  }
0x98: {  	_ =	strace $0x8FFFFFFF  }
0x99: {  	s19 =	sld [smem:$0x3FDB];
	_ =	sdelay $0x1  }
0x9a: {  	s5 =	simm.s32 $_scs_section_size  }
0x9b: {  	s6 =	simm.s32 $_size__tile_overlayer_lowered;
	s7 =	simm.s32 $_tile_overlayer_lowered  }
0x9c: {  	s22 =	simm.s32 $0x1BFF;
	s21 =	sshll.u32 s7, $0x1;
	s4 =	sadd.s32 s5, s19  }
0x9d: {  	s8 =	simm.s32 $0x0;
	s20 =	sshll.u32 s6, $0x1;
	s6 =	sadd.s32 s21, s4  }
0x9e: {  	[timem:s8], [sflag:s22] =	dma.local [hbm:s6], s20  }
0x9f: {  	_ =	swait.ge [sflag:s22], s20  }
0xa0: {  	s5 =	ssub.s32 $0x0, s20;
	[sflag:s22] =	ssyncset.done $0x0  }
0xa1: {  	[sflag:s22] =	ssyncadd.s32 s5;
	_ =	sdelay $0x1  }
0xa2: {  	s23 =	simm.s32 $0x1B8B  }
0xa3: {  	_ =	swait.ge [sflag:s23], $0x1  }
0xa4: {  	[sflag:s23] =	ssyncset.done $0x0  }
0xa5: {  	s25 =	simm.s32 $0x1B8E;
	s24 =	sld [smem:$0x3FFE];
	[sflag:s23] =	ssyncadd.s32 $0xFFFFFFFF  }
0xa6: {  	s26 =	simm.s32 $execute0_lowered;
	[smem:$0x3FD2] =	sst s25  }
0xa7: {  	s6 =	sshll.u32 s26, $0x1;
	_ =	strace $0x80000049;
	[dreg:$0x1] =	wrdreg $0xFFFFFFFF  }
0xa8: {  	s28 =	simm.s32 $_size_execute0_lowered;
	s4 =	sadd.s32 s4, s6;
	[dreg:$0x0] =	wrdreg $0x0  }
0xa9: {  	s6 =	sshll.u32 s28, $0x1;
	[dreg:$0x2] =	wrdreg s4  }
0xaa: {  	[dreg:$0x3] =	wrdreg s6  }
0xab: {  	[dreg:$0x4] =	wrdreg $0xC0  }
0xac: {  	_ =	task [dreg:s8], $0x5FFFF  }
0xad: {  	[dreg:$0x1] =	wrdreg $0xFFFFFFFF  }
0xae: {  	[dreg:$0x0] =	wrdreg $0x60  }
0xaf: {  	[dreg:$0x2] =	wrdreg s2  }
0xb0: {  	[dreg:$0x3] =	wrdreg s24  }
0xb1: {  	[dreg:$0x4] =	wrdreg s18  }
0xb2: {  	[dreg:$0x5] =	wrdreg $0x9  }
0xb3: {  	_ =	task.clear_ibuf [dreg:s8], $0x6FFFF;
	_ =	strace $0x90000049  }
0xb4: {  	s29 =	simm.s32 $0x9;
	_ =	strace $0x8000004B  }
0xb5: {  	_ =	swait.ge [sflag:s29], $0x1  }
0xb6: {  	[sflag:s29] =	ssyncadd.s32 $0xFFFFFFFF  }
0xb7: {  	_ =	strace $0x9000004B  }
0xb8: {  	_ =	sfence  }
0xb9: {  	s30 =	sld [smem:$0x0];
	_ =	sdelay $0x2  }
0xba: {  	s31 =	sshll.u32 s1, $0xD;
	s1 =	sshrl.u32 s1, $0x2  }
0xbb: {  	s3 =	sand.u32 $0x4000, s31;
	s1 =	sadd.s32 s1, s30  }
0xbc: {  	s0 =	sor.u32 s3, s0;
	s1 =	sshll.u32 s1, $0x11  }
0xbd: {  	s0 =	sor.u32 s1, s0  }
0xbe: {  	s0 =	sadd.s32 $0x8F2B, s0  }
0xbf: {  	[sflag:s0] =	ssyncadd.remote.s32 $0x1  }
0xc0: {  	_ =	sfence.sel $0xFFFF  }
0xc1: {  	[dreg:$0x0] =	wrdreg $0xFFFFFFFF;
	(pc) =	sbr.abs _section_cstart, $3  }
0xc2: {  	[dreg:$0x1] =	wrdreg $0xFFFFFFFF  }
0xc3: {  	_ =	task.clear_ibuf [dreg:s8], $0x2FFFF;
	_ =	strace $0x9FFFFFFF  }
0xc4: {  	(tm) =	ssettm $0x7FFFFFFF  }
0xc5: {  	_ =	shalt  }
tec
execute0_lowered:
.L_overlay_start_1:
0x0: {  	(tag) =	ssettag $0x1  }
0x1: {  	s0 =	rddreg [dreg:$0x0]  }
0x2: {  	s1 =	rddreg [dreg:$0x1]  }
0x3: {  	s2 =	rddreg [dreg:$0x2]  }
0x4: {  	s3 =	srdreg.scid;
	s5 =	stileid.u32;
	s31 =	simm.s32 $0x80  }
0x5: {  	s4 =	sand.u32 $0x1, s3;
	s3 =	simm.s32 $0x0;
	s5 =	sshll.u32 s5, $0x6  }
0x6: {  	s1 =	sadd.s32 $0xC00, s1;
	s6 =	sshll.u32 s4, $0x5;
	[smem:$0x7FF] =	sst s3  }
0x7: {  	s4 =	ssub.s32 $0x2, s4;
	s5 =	sor.u32 s6, s5;
	_ =	strace $0x8000004A  }
0x8: {  	s28 =	sshrl.u32 s4, $0x1;
	s6 =	smul.u32 $0x300, s5;
	s7 =	sadd.s32 s0, s5  }
0x9: {  	s8 =	sor.u32 $0x8, s5;
	s21 =	sor.u32 $0x10, s5;
	s5 =	sor.u32 $0x18, s5  }
0xa: {  	s29 =	ssub.s32 s4, s28;
	[dreg:$0x4] =	wrdreg s7;
	s20 =	sadd.s32 s0, s8  }
0xb: {  	s4 =	sadd.s32 $0x100, s2;
	s24 =	sadd.s32 s0, s21;
	[dreg:$0x6] =	wrdreg s20  }
0xc: {  	s19 =	smul.u32 $0x300, s8;
	s0 =	sadd.s32 s0, s5;
	[dreg:$0x8] =	wrdreg s24  }
0xd: {  	s23 =	smul.u32 $0x300, s21;
	s6 =	sadd.s32 s1, s6;
	[dreg:$0xa] =	wrdreg s0  }
0xe: {  	s26 =	smul.u32 $0x300, s5;
	[dreg:$0x5] =	wrdreg s6;
	s22 =	sadd.s32 s1, s19  }
0xf: {  	v2 =	vlaneseq.u32;
	s5 =	sadd.s32 $0x200, s2;
	s25 =	sadd.s32 s1, s23;
	[dreg:$0x7] =	wrdreg s22  }
0x10: {  	vm0 =	vmmov $0xffff;
	v1 =	vshrl.u32 v2, $0x3;
	s7 =	simm.s32 $0x2;
	s30 =	sadd.s32 s1, s26;
	[dreg:$0x9] =	wrdreg s25  }
0x11: {  	v0 =	vand.u32 $0x7, v2;
	v2 =	vor.u32 $0x8, v2;
	v1 =	vmul.u32 $0x8, v1;
	s6 =	smax.u32 s29, $0x1;
	s1 =	simm.s32 $0x1;
	[dreg:$0xb] =	wrdreg s30  }
.LBB2_1:
0x12: {  	s9 =	rddreg [dreg:$0x4]  }
0x13: {  	[tilespmem:s3], [sflag:$0x2] =	stream.linear.gather [hbm4b:s9+s3], $0x40, $0x38;
	[tilespmem:$0xC080] =	vst v63  }
0x14: {  	_ =	swait.ge [sflag:s7], $0x40  }
0x15: {  	[sflag:s7] =	ssyncset.done $0x0  }
0x16: {  	s26 =	rddreg [dreg:$0x5];
	[sflag:s7] =	ssyncadd.s32 $0xFFFFFFC0  }
0x17: {  	[tilespmem:s31], [sflag:$0x2] =	stream.linear.gather [hbm4b:s26+s3], $0xC000, $0x38;
	[tilespmem:$0xC080] =	vst v63  }
0x18: {  	_ =	swait.ge [sflag:s7], $0xC000  }
0x19: {  	[sflag:s7] =	ssyncset.done $0x0  }
0x1a: {  	[sflag:s7] =	ssyncadd.s32 $0xFFFF4000  }
0x1b: {  	v3 =	vld [tilespmem:$0x0];
	_ =	sdelay $0x4  }
0x1c: {  	v4 =	vshrl.u32 v3, $0x3  }
0x1d: {  	v4 =	vmul.u32 $0x30, v4  }
0x1e: {  	v3 =	vand.u32 $0x7, v3  }
0x1f: {  	v3 =	vor.u32 v3, v4  }
0x20: {  	v4 =	vperm.xlane v3, v0;
	_ =	sdelay $0x1  }
0x21: {  	v4 =	vadd.s32 v1, v4;
	_ =	sdelay $0x3  }
0x22: {  	v3 =	vperm.xlane v3, v2  }
0x23: {  	[hbm4b:s2+s3] =	stream.indirect_vreg.scatter [tilespmem:s31], [sflag:$0x1], $0x80, v4, vm0, $0xb8;
	[tilespmem:$0xC080] =	vst v63  }
0x24: {  	s0 =	simm.s32 $0x880;
	v3 =	vadd.s32 v1, v3  }
0x25: {  	[hbm4b:s4+s3] =	stream.indirect_vreg.scatter [tilespmem:s0], [sflag:$0x1], $0x80, v4, vm0, $0xb8;
	[tilespmem:$0xC080] =	vst v63  }
0x26: {  	s28 =	simm.s32 $0x1080  }
0x27: {  	[hbm4b:s5+s3] =	stream.indirect_vreg.scatter [tilespmem:s28], [sflag:$0x1], $0x80, v4, vm0, $0xb8;
	[tilespmem:$0xC080] =	vst v63  }
0x28: {  	s29 =	simm.s32 $0x1880  }
0x29: {  	[hbm4b:s2+s3] =	stream.indirect_vreg.scatter [tilespmem:s29], [sflag:$0x1], $0x80, v3, vm0, $0xb8;
	[tilespmem:$0xC080] =	vst v63  }
0x2a: {  	s30 =	simm.s32 $0x2080  }
0x2b: {  	[hbm4b:s4+s3] =	stream.indirect_vreg.scatter [tilespmem:s30], [sflag:$0x1], $0x80, v3, vm0, $0xb8;
	[tilespmem:$0xC080] =	vst v63  }
0x2c: {  	s8 =	simm.s32 $0x2880  }
0x2d: {  	[hbm4b:s5+s3] =	stream.indirect_vreg.scatter [tilespmem:s8], [sflag:$0x1], $0x80, v3, vm0, $0xb8;
	[tilespmem:$0xC080] =	vst v63  }
0x2e: {  	v3 =	vld [tilespmem:$0x10];
	_ =	sdelay $0x4  }
0x2f: {  	v49 =	vshrl.u32 v3, $0x3  }
0x30: {  	v4 =	vmul.u32 $0x30, v49  }
0x31: {  	v3 =	vand.u32 $0x7, v3  }
0x32: {  	v3 =	vor.u32 v3, v4  }
0x33: {  	v4 =	vperm.xlane v3, v0;
	_ =	sdelay $0x1  }
0x34: {  	v4 =	vadd.s32 v1, v4;
	_ =	sdelay $0x3  }
0x35: {  	s9 =	simm.s32 $0x3080;
	v3 =	vperm.xlane v3, v2  }
0x36: {  	[hbm4b:s2+s3] =	stream.indirect_vreg.scatter [tilespmem:s9], [sflag:$0x1], $0x80, v4, vm0, $0xb8;
	[tilespmem:$0xC080] =	vst v63  }
0x37: {  	s10 =	simm.s32 $0x3880;
	v3 =	vadd.s32 v1, v3  }
0x38: {  	[hbm4b:s4+s3] =	stream.indirect_vreg.scatter [tilespmem:s10], [sflag:$0x1], $0x80, v4, vm0, $0xb8;
	[tilespmem:$0xC080] =	vst v63  }
0x39: {  	s11 =	simm.s32 $0x4080  }
0x3a: {  	[hbm4b:s5+s3] =	stream.indirect_vreg.scatter [tilespmem:s11], [sflag:$0x1], $0x80, v4, vm0, $0xb8;
	[tilespmem:$0xC080] =	vst v63  }
0x3b: {  	s12 =	simm.s32 $0x4880  }
0x3c: {  	[hbm4b:s2+s3] =	stream.indirect_vreg.scatter [tilespmem:s12], [sflag:$0x1], $0x80, v3, vm0, $0xb8;
	[tilespmem:$0xC080] =	vst v63  }
0x3d: {  	s13 =	simm.s32 $0x5080  }
0x3e: {  	[hbm4b:s4+s3] =	stream.indirect_vreg.scatter [tilespmem:s13], [sflag:$0x1], $0x80, v3, vm0, $0xb8;
	[tilespmem:$0xC080] =	vst v63  }
0x3f: {  	s14 =	simm.s32 $0x5880  }
0x40: {  	[hbm4b:s5+s3] =	stream.indirect_vreg.scatter [tilespmem:s14], [sflag:$0x1], $0x80, v3, vm0, $0xb8;
	[tilespmem:$0xC080] =	vst v63  }
0x41: {  	v3 =	vld [tilespmem:$0x20];
	_ =	sdelay $0x4  }
0x42: {  	v50 =	vshrl.u32 v3, $0x3  }
0x43: {  	v4 =	vmul.u32 $0x30, v50  }
0x44: {  	v3 =	vand.u32 $0x7, v3  }
0x45: {  	v3 =	vor.u32 v3, v4  }
0x46: {  	v4 =	vperm.xlane v3, v0;
	_ =	sdelay $0x1  }
0x47: {  	v4 =	vadd.s32 v1, v4;
	_ =	sdelay $0x3  }
0x48: {  	s15 =	simm.s32 $0x6080;
	v3 =	vperm.xlane v3, v2  }
0x49: {  	[hbm4b:s2+s3] =	stream.indirect_vreg.scatter [tilespmem:s15], [sflag:$0x1], $0x80, v4, vm0, $0xb8;
	[tilespmem:$0xC080] =	vst v63  }
0x4a: {  	s16 =	simm.s32 $0x6880;
	v3 =	vadd.s32 v1, v3  }
0x4b: {  	[hbm4b:s4+s3] =	stream.indirect_vreg.scatter [tilespmem:s16], [sflag:$0x1], $0x80, v4, vm0, $0xb8;
	[tilespmem:$0xC080] =	vst v63  }
0x4c: {  	s17 =	simm.s32 $0x7080  }
0x4d: {  	[hbm4b:s5+s3] =	stream.indirect_vreg.scatter [tilespmem:s17], [sflag:$0x1], $0x80, v4, vm0, $0xb8;
	[tilespmem:$0xC080] =	vst v63  }
0x4e: {  	s18 =	simm.s32 $0x7880  }
0x4f: {  	[hbm4b:s2+s3] =	stream.indirect_vreg.scatter [tilespmem:s18], [sflag:$0x1], $0x80, v3, vm0, $0xb8;
	[tilespmem:$0xC080] =	vst v63  }
0x50: {  	s19 =	simm.s32 $0x8080  }
0x51: {  	[hbm4b:s4+s3] =	stream.indirect_vreg.scatter [tilespmem:s19], [sflag:$0x1], $0x80, v3, vm0, $0xb8;
	[tilespmem:$0xC080] =	vst v63  }
0x52: {  	s20 =	simm.s32 $0x8880  }
0x53: {  	[hbm4b:s5+s3] =	stream.indirect_vreg.scatter [tilespmem:s20], [sflag:$0x1], $0x80, v3, vm0, $0xb8;
	[tilespmem:$0xC080] =	vst v63  }
0x54: {  	v3 =	vld [tilespmem:$0x30];
	_ =	sdelay $0x4  }
0x55: {  	v51 =	vshrl.u32 v3, $0x3  }
0x56: {  	v4 =	vmul.u32 $0x30, v51  }
0x57: {  	v3 =	vand.u32 $0x7, v3  }
0x58: {  	v3 =	vor.u32 v3, v4  }
0x59: {  	v4 =	vperm.xlane v3, v0;
	_ =	sdelay $0x1  }
0x5a: {  	v4 =	vadd.s32 v1, v4;
	_ =	sdelay $0x3  }
0x5b: {  	s21 =	simm.s32 $0x9080;
	v3 =	vperm.xlane v3, v2  }
0x5c: {  	[hbm4b:s2+s3] =	stream.indirect_vreg.scatter [tilespmem:s21], [sflag:$0x1], $0x80, v4, vm0, $0xb8;
	[tilespmem:$0xC080] =	vst v63  }
0x5d: {  	s22 =	simm.s32 $0x9880;
	v3 =	vadd.s32 v1, v3  }
0x5e: {  	[hbm4b:s4+s3] =	stream.indirect_vreg.scatter [tilespmem:s22], [sflag:$0x1], $0x80, v4, vm0, $0xb8;
	[tilespmem:$0xC080] =	vst v63  }
0x5f: {  	s23 =	simm.s32 $0xA080  }
0x60: {  	[hbm4b:s5+s3] =	stream.indirect_vreg.scatter [tilespmem:s23], [sflag:$0x1], $0x80, v4, vm0, $0xb8;
	[tilespmem:$0xC080] =	vst v63  }
0x61: {  	s24 =	simm.s32 $0xA880  }
0x62: {  	[hbm4b:s2+s3] =	stream.indirect_vreg.scatter [tilespmem:s24], [sflag:$0x1], $0x80, v3, vm0, $0xb8;
	[tilespmem:$0xC080] =	vst v63  }
0x63: {  	s25 =	simm.s32 $0xB080  }
0x64: {  	[hbm4b:s4+s3] =	stream.indirect_vreg.scatter [tilespmem:s25], [sflag:$0x1], $0x80, v3, vm0, $0xb8;
	[tilespmem:$0xC080] =	vst v63  }
0x65: {  	s26 =	simm.s32 $0xB880  }
0x66: {  	[hbm4b:s5+s3] =	stream.indirect_vreg.scatter [tilespmem:s26], [sflag:$0x1], $0x80, v3, vm0, $0xb8;
	[tilespmem:$0xC080] =	vst v63  }
0x67: {  	_ =	swait.ge [sflag:s1], $0xC000  }
0x68: {  	[sflag:s1] =	ssyncset.done $0x0  }
0x69: {  	s28 =	rddreg [dreg:$0x6];
	[sflag:s1] =	ssyncadd.s32 $0xFFFF4000  }
0x6a: {  	[tilespmem:s3], [sflag:$0x2] =	stream.linear.gather [hbm4b:s28+s3], $0x40, $0x38;
	[tilespmem:$0xC080] =	vst v63  }
0x6b: {  	_ =	swait.ge [sflag:s7], $0x40  }
0x6c: {  	[sflag:s7] =	ssyncset.done $0x0  }
0x6d: {  	s29 =	rddreg [dreg:$0x7];
	[sflag:s7] =	ssyncadd.s32 $0xFFFFFFC0  }
0x6e: {  	[tilespmem:s31], [sflag:$0x2] =	stream.linear.gather [hbm4b:s29+s3], $0xC000, $0x38;
	[tilespmem:$0xC080] =	vst v63  }
0x6f: {  	_ =	swait.ge [sflag:s7], $0xC000  }
0x70: {  	[sflag:s7] =	ssyncset.done $0x0  }
0x71: {  	[sflag:s7] =	ssyncadd.s32 $0xFFFF4000  }
0x72: {  	v3 =	vld [tilespmem:$0x0];
	_ =	sdelay $0x4  }
0x73: {  	v52 =	vshrl.u32 v3, $0x3  }
0x74: {  	v4 =	vmul.u32 $0x30, v52  }
0x75: {  	v3 =	vand.u32 $0x7, v3  }
0x76: {  	v3 =	vor.u32 v3, v4  }
0x77: {  	v4 =	vperm.xlane v3, v0;
	_ =	sdelay $0x1  }
0x78: {  	v4 =	vadd.s32 v1, v4;
	_ =	sdelay $0x3  }
0x79: {  	v3 =	vperm.xlane v3, v2  }
0x7a: {  	[hbm4b:s2+s3] =	stream.indirect_vreg.scatter [tilespmem:s31], [sflag:$0x1], $0x80, v4, vm0, $0xb8;
	[tilespmem:$0xC080] =	vst v63  }
0x7b: {  	s0 =	simm.s32 $0x880;
	v3 =	vadd.s32 v1, v3  }
0x7c: {  	[hbm4b:s4+s3] =	stream.indirect_vreg.scatter [tilespmem:s0], [sflag:$0x1], $0x80, v4, vm0, $0xb8;
	[tilespmem:$0xC080] =	vst v63  }
0x7d: {  	s8 =	simm.s32 $0x1080  }
0x7e: {  	[hbm4b:s5+s3] =	stream.indirect_vreg.scatter [tilespmem:s8], [sflag:$0x1], $0x80, v4, vm0, $0xb8;
	[tilespmem:$0xC080] =	vst v63  }
0x7f: {  	s10 =	simm.s32 $0x1880  }
0x80: {  	[hbm4b:s2+s3] =	stream.indirect_vreg.scatter [tilespmem:s10], [sflag:$0x1], $0x80, v3, vm0, $0xb8;
	[tilespmem:$0xC080] =	vst v63  }
0x81: {  	s11 =	simm.s32 $0x2080  }
0x82: {  	[hbm4b:s4+s3] =	stream.indirect_vreg.scatter [tilespmem:s11], [sflag:$0x1], $0x80, v3, vm0, $0xb8;
	[tilespmem:$0xC080] =	vst v63  }
0x83: {  	s12 =	simm.s32 $0x2880  }
0x84: {  	[hbm4b:s5+s3] =	stream.indirect_vreg.scatter [tilespmem:s12], [sflag:$0x1], $0x80, v3, vm0, $0xb8;
	[tilespmem:$0xC080] =	vst v63  }
0x85: {  	v3 =	vld [tilespmem:$0x10];
	_ =	sdelay $0x4  }
0x86: {  	v53 =	vshrl.u32 v3, $0x3  }
0x87: {  	v4 =	vmul.u32 $0x30, v53  }
0x88: {  	v3 =	vand.u32 $0x7, v3  }
0x89: {  	v3 =	vor.u32 v3, v4  }
0x8a: {  	v4 =	vperm.xlane v3, v0;
	_ =	sdelay $0x1  }
0x8b: {  	v4 =	vadd.s32 v1, v4;
	_ =	sdelay $0x3  }
0x8c: {  	s13 =	simm.s32 $0x3080;
	v3 =	vperm.xlane v3, v2  }
0x8d: {  	[hbm4b:s2+s3] =	stream.indirect_vreg.scatter [tilespmem:s13], [sflag:$0x1], $0x80, v4, vm0, $0xb8;
	[tilespmem:$0xC080] =	vst v63  }
0x8e: {  	s14 =	simm.s32 $0x3880;
	v3 =	vadd.s32 v1, v3  }
0x8f: {  	[hbm4b:s4+s3] =	stream.indirect_vreg.scatter [tilespmem:s14], [sflag:$0x1], $0x80, v4, vm0, $0xb8;
	[tilespmem:$0xC080] =	vst v63  }
0x90: {  	s15 =	simm.s32 $0x4080  }
0x91: {  	[hbm4b:s5+s3] =	stream.indirect_vreg.scatter [tilespmem:s15], [sflag:$0x1], $0x80, v4, vm0, $0xb8;
	[tilespmem:$0xC080] =	vst v63  }
0x92: {  	s16 =	simm.s32 $0x4880  }
0x93: {  	[hbm4b:s2+s3] =	stream.indirect_vreg.scatter [tilespmem:s16], [sflag:$0x1], $0x80, v3, vm0, $0xb8;
	[tilespmem:$0xC080] =	vst v63  }
0x94: {  	s17 =	simm.s32 $0x5080  }
0x95: {  	[hbm4b:s4+s3] =	stream.indirect_vreg.scatter [tilespmem:s17], [sflag:$0x1], $0x80, v3, vm0, $0xb8;
	[tilespmem:$0xC080] =	vst v63  }
0x96: {  	s18 =	simm.s32 $0x5880  }
0x97: {  	[hbm4b:s5+s3] =	stream.indirect_vreg.scatter [tilespmem:s18], [sflag:$0x1], $0x80, v3, vm0, $0xb8;
	[tilespmem:$0xC080] =	vst v63  }
0x98: {  	v3 =	vld [tilespmem:$0x20];
	_ =	sdelay $0x4  }
0x99: {  	v54 =	vshrl.u32 v3, $0x3  }
0x9a: {  	v4 =	vmul.u32 $0x30, v54  }
0x9b: {  	v3 =	vand.u32 $0x7, v3  }
0x9c: {  	v3 =	vor.u32 v3, v4  }
0x9d: {  	v4 =	vperm.xlane v3, v0;
	_ =	sdelay $0x1  }
0x9e: {  	v4 =	vadd.s32 v1, v4;
	_ =	sdelay $0x3  }
0x9f: {  	s19 =	simm.s32 $0x6080;
	v3 =	vperm.xlane v3, v2  }
0xa0: {  	[hbm4b:s2+s3] =	stream.indirect_vreg.scatter [tilespmem:s19], [sflag:$0x1], $0x80, v4, vm0, $0xb8;
	[tilespmem:$0xC080] =	vst v63  }
0xa1: {  	s20 =	simm.s32 $0x6880;
	v3 =	vadd.s32 v1, v3  }
0xa2: {  	[hbm4b:s4+s3] =	stream.indirect_vreg.scatter [tilespmem:s20], [sflag:$0x1], $0x80, v4, vm0, $0xb8;
	[tilespmem:$0xC080] =	vst v63  }
0xa3: {  	s21 =	simm.s32 $0x7080  }
0xa4: {  	[hbm4b:s5+s3] =	stream.indirect_vreg.scatter [tilespmem:s21], [sflag:$0x1], $0x80, v4, vm0, $0xb8;
	[tilespmem:$0xC080] =	vst v63  }
0xa5: {  	s22 =	simm.s32 $0x7880  }
0xa6: {  	[hbm4b:s2+s3] =	stream.indirect_vreg.scatter [tilespmem:s22], [sflag:$0x1], $0x80, v3, vm0, $0xb8;
	[tilespmem:$0xC080] =	vst v63  }
0xa7: {  	s23 =	simm.s32 $0x8080  }
0xa8: {  	[hbm4b:s4+s3] =	stream.indirect_vreg.scatter [tilespmem:s23], [sflag:$0x1], $0x80, v3, vm0, $0xb8;
	[tilespmem:$0xC080] =	vst v63  }
0xa9: {  	s24 =	simm.s32 $0x8880  }
0xaa: {  	[hbm4b:s5+s3] =	stream.indirect_vreg.scatter [tilespmem:s24], [sflag:$0x1], $0x80, v3, vm0, $0xb8;
	[tilespmem:$0xC080] =	vst v63  }
0xab: {  	v3 =	vld [tilespmem:$0x30];
	_ =	sdelay $0x4  }
0xac: {  	v55 =	vshrl.u32 v3, $0x3  }
0xad: {  	v4 =	vmul.u32 $0x30, v55  }
0xae: {  	v3 =	vand.u32 $0x7, v3  }
0xaf: {  	v3 =	vor.u32 v3, v4  }
0xb0: {  	v4 =	vperm.xlane v3, v0;
	_ =	sdelay $0x1  }
0xb1: {  	v4 =	vadd.s32 v1, v4;
	_ =	sdelay $0x3  }
0xb2: {  	s25 =	simm.s32 $0x9080;
	v3 =	vperm.xlane v3, v2  }
0xb3: {  	[hbm4b:s2+s3] =	stream.indirect_vreg.scatter [tilespmem:s25], [sflag:$0x1], $0x80, v4, vm0, $0xb8;
	[tilespmem:$0xC080] =	vst v63  }
0xb4: {  	s26 =	simm.s32 $0x9880;
	v3 =	vadd.s32 v1, v3  }
0xb5: {  	[hbm4b:s4+s3] =	stream.indirect_vreg.scatter [tilespmem:s26], [sflag:$0x1], $0x80, v4, vm0, $0xb8;
	[tilespmem:$0xC080] =	vst v63  }
0xb6: {  	s28 =	simm.s32 $0xA080  }
0xb7: {  	[hbm4b:s5+s3] =	stream.indirect_vreg.scatter [tilespmem:s28], [sflag:$0x1], $0x80, v4, vm0, $0xb8;
	[tilespmem:$0xC080] =	vst v63  }
0xb8: {  	s29 =	simm.s32 $0xA880  }
0xb9: {  	[hbm4b:s2+s3] =	stream.indirect_vreg.scatter [tilespmem:s29], [sflag:$0x1], $0x80, v3, vm0, $0xb8;
	[tilespmem:$0xC080] =	vst v63  }
0xba: {  	s9 =	simm.s32 $0xB080  }
0xbb: {  	[hbm4b:s4+s3] =	stream.indirect_vreg.scatter [tilespmem:s9], [sflag:$0x1], $0x80, v3, vm0, $0xb8;
	[tilespmem:$0xC080] =	vst v63  }
0xbc: {  	s30 =	simm.s32 $0xB880  }
0xbd: {  	[hbm4b:s5+s3] =	stream.indirect_vreg.scatter [tilespmem:s30], [sflag:$0x1], $0x80, v3, vm0, $0xb8;
	[tilespmem:$0xC080] =	vst v63  }
0xbe: {  	_ =	swait.ge [sflag:s1], $0xC000  }
0xbf: {  	[sflag:s1] =	ssyncset.done $0x0  }
0xc0: {  	s30 =	rddreg [dreg:$0x8];
	[sflag:s1] =	ssyncadd.s32 $0xFFFF4000  }
0xc1: {  	[tilespmem:s3], [sflag:$0x2] =	stream.linear.gather [hbm4b:s30+s3], $0x40, $0x38;
	[tilespmem:$0xC080] =	vst v63  }
0xc2: {  	_ =	swait.ge [sflag:s7], $0x40  }
0xc3: {  	[sflag:s7] =	ssyncset.done $0x0  }
0xc4: {  	s30 =	rddreg [dreg:$0x9];
	[sflag:s7] =	ssyncadd.s32 $0xFFFFFFC0  }
0xc5: {  	[tilespmem:s31], [sflag:$0x2] =	stream.linear.gather [hbm4b:s30+s3], $0xC000, $0x38;
	[tilespmem:$0xC080] =	vst v63  }
0xc6: {  	_ =	swait.ge [sflag:s7], $0xC000  }
0xc7: {  	[sflag:s7] =	ssyncset.done $0x0  }
0xc8: {  	[sflag:s7] =	ssyncadd.s32 $0xFFFF4000  }
0xc9: {  	v3 =	vld [tilespmem:$0x0];
	_ =	sdelay $0x4  }
0xca: {  	v56 =	vshrl.u32 v3, $0x3  }
0xcb: {  	v4 =	vmul.u32 $0x30, v56  }
0xcc: {  	v3 =	vand.u32 $0x7, v3  }
0xcd: {  	v3 =	vor.u32 v3, v4  }
0xce: {  	v4 =	vperm.xlane v3, v0;
	_ =	sdelay $0x1  }
0xcf: {  	v4 =	vadd.s32 v1, v4;
	_ =	sdelay $0x3  }
0xd0: {  	v3 =	vperm.xlane v3, v2  }
0xd1: {  	[hbm4b:s2+s3] =	stream.indirect_vreg.scatter [tilespmem:s31], [sflag:$0x1], $0x80, v4, vm0, $0xb8;
	[tilespmem:$0xC080] =	vst v63  }
0xd2: {  	v3 =	vadd.s32 v1, v3  }
0xd3: {  	[hbm4b:s4+s3] =	stream.indirect_vreg.scatter [tilespmem:s0], [sflag:$0x1], $0x80, v4, vm0, $0xb8;
	[tilespmem:$0xC080] =	vst v63  }
0xd4: {  	_ = 	snop  }
0xd5: {  	[hbm4b:s5+s3] =	stream.indirect_vreg.scatter [tilespmem:s8], [sflag:$0x1], $0x80, v4, vm0, $0xb8;
	[tilespmem:$0xC080] =	vst v63  }
0xd6: {  	_ = 	snop  }
0xd7: {  	[hbm4b:s2+s3] =	stream.indirect_vreg.scatter [tilespmem:s10], [sflag:$0x1], $0x80, v3, vm0, $0xb8;
	[tilespmem:$0xC080] =	vst v63  }
0xd8: {  	_ = 	snop  }
0xd9: {  	[hbm4b:s4+s3] =	stream.indirect_vreg.scatter [tilespmem:s11], [sflag:$0x1], $0x80, v3, vm0, $0xb8;
	[tilespmem:$0xC080] =	vst v63  }
0xda: {  	_ = 	snop  }
0xdb: {  	[hbm4b:s5+s3] =	stream.indirect_vreg.scatter [tilespmem:s12], [sflag:$0x1], $0x80, v3, vm0, $0xb8;
	[tilespmem:$0xC080] =	vst v63  }
0xdc: {  	v3 =	vld [tilespmem:$0x10];
	_ =	sdelay $0x4  }
0xdd: {  	v57 =	vshrl.u32 v3, $0x3  }
0xde: {  	v4 =	vmul.u32 $0x30, v57  }
0xdf: {  	v3 =	vand.u32 $0x7, v3  }
0xe0: {  	v3 =	vor.u32 v3, v4  }
0xe1: {  	v4 =	vperm.xlane v3, v0;
	_ =	sdelay $0x1  }
0xe2: {  	v4 =	vadd.s32 v1, v4;
	_ =	sdelay $0x3  }
0xe3: {  	v3 =	vperm.xlane v3, v2  }
0xe4: {  	[hbm4b:s2+s3] =	stream.indirect_vreg.scatter [tilespmem:s13], [sflag:$0x1], $0x80, v4, vm0, $0xb8;
	[tilespmem:$0xC080] =	vst v63  }
0xe5: {  	v3 =	vadd.s32 v1, v3  }
0xe6: {  	[hbm4b:s4+s3] =	stream.indirect_vreg.scatter [tilespmem:s14], [sflag:$0x1], $0x80, v4, vm0, $0xb8;
	[tilespmem:$0xC080] =	vst v63  }
0xe7: {  	_ = 	snop  }
0xe8: {  	[hbm4b:s5+s3] =	stream.indirect_vreg.scatter [tilespmem:s15], [sflag:$0x1], $0x80, v4, vm0, $0xb8;
	[tilespmem:$0xC080] =	vst v63  }
0xe9: {  	_ = 	snop  }
0xea: {  	[hbm4b:s2+s3] =	stream.indirect_vreg.scatter [tilespmem:s16], [sflag:$0x1], $0x80, v3, vm0, $0xb8;
	[tilespmem:$0xC080] =	vst v63  }
0xeb: {  	_ = 	snop  }
0xec: {  	[hbm4b:s4+s3] =	stream.indirect_vreg.scatter [tilespmem:s17], [sflag:$0x1], $0x80, v3, vm0, $0xb8;
	[tilespmem:$0xC080] =	vst v63  }
0xed: {  	_ = 	snop  }
0xee: {  	[hbm4b:s5+s3] =	stream.indirect_vreg.scatter [tilespmem:s18], [sflag:$0x1], $0x80, v3, vm0, $0xb8;
	[tilespmem:$0xC080] =	vst v63  }
0xef: {  	v3 =	vld [tilespmem:$0x20];
	_ =	sdelay $0x4  }
0xf0: {  	v58 =	vshrl.u32 v3, $0x3  }
0xf1: {  	v4 =	vmul.u32 $0x30, v58  }
0xf2: {  	v3 =	vand.u32 $0x7, v3  }
0xf3: {  	v3 =	vor.u32 v3, v4  }
0xf4: {  	v4 =	vperm.xlane v3, v0;
	_ =	sdelay $0x1  }
0xf5: {  	v4 =	vadd.s32 v1, v4;
	_ =	sdelay $0x3  }
0xf6: {  	v3 =	vperm.xlane v3, v2  }
0xf7: {  	[hbm4b:s2+s3] =	stream.indirect_vreg.scatter [tilespmem:s19], [sflag:$0x1], $0x80, v4, vm0, $0xb8;
	[tilespmem:$0xC080] =	vst v63  }
0xf8: {  	v3 =	vadd.s32 v1, v3  }
0xf9: {  	[hbm4b:s4+s3] =	stream.indirect_vreg.scatter [tilespmem:s20], [sflag:$0x1], $0x80, v4, vm0, $0xb8;
	[tilespmem:$0xC080] =	vst v63  }
0xfa: {  	_ = 	snop  }
0xfb: {  	[hbm4b:s5+s3] =	stream.indirect_vreg.scatter [tilespmem:s21], [sflag:$0x1], $0x80, v4, vm0, $0xb8;
	[tilespmem:$0xC080] =	vst v63  }
0xfc: {  	_ = 	snop  }
0xfd: {  	[hbm4b:s2+s3] =	stream.indirect_vreg.scatter [tilespmem:s22], [sflag:$0x1], $0x80, v3, vm0, $0xb8;
	[tilespmem:$0xC080] =	vst v63  }
0xfe: {  	_ = 	snop  }
0xff: {  	[hbm4b:s4+s3] =	stream.indirect_vreg.scatter [tilespmem:s23], [sflag:$0x1], $0x80, v3, vm0, $0xb8;
	[tilespmem:$0xC080] =	vst v63  }
0x100: {  	_ = 	snop  }
0x101: {  	[hbm4b:s5+s3] =	stream.indirect_vreg.scatter [tilespmem:s24], [sflag:$0x1], $0x80, v3, vm0, $0xb8;
	[tilespmem:$0xC080] =	vst v63  }
0x102: {  	v3 =	vld [tilespmem:$0x30];
	_ =	sdelay $0x4  }
0x103: {  	v59 =	vshrl.u32 v3, $0x3  }
0x104: {  	v4 =	vmul.u32 $0x30, v59  }
0x105: {  	v3 =	vand.u32 $0x7, v3  }
0x106: {  	v3 =	vor.u32 v3, v4  }
0x107: {  	v4 =	vperm.xlane v3, v0;
	_ =	sdelay $0x1  }
0x108: {  	v4 =	vadd.s32 v1, v4;
	_ =	sdelay $0x3  }
0x109: {  	v3 =	vperm.xlane v3, v2  }
0x10a: {  	[hbm4b:s2+s3] =	stream.indirect_vreg.scatter [tilespmem:s25], [sflag:$0x1], $0x80, v4, vm0, $0xb8;
	[tilespmem:$0xC080] =	vst v63  }
0x10b: {  	v3 =	vadd.s32 v1, v3  }
0x10c: {  	[hbm4b:s4+s3] =	stream.indirect_vreg.scatter [tilespmem:s26], [sflag:$0x1], $0x80, v4, vm0, $0xb8;
	[tilespmem:$0xC080] =	vst v63  }
0x10d: {  	_ = 	snop  }
0x10e: {  	[hbm4b:s5+s3] =	stream.indirect_vreg.scatter [tilespmem:s28], [sflag:$0x1], $0x80, v4, vm0, $0xb8;
	[tilespmem:$0xC080] =	vst v63  }
0x10f: {  	_ = 	snop  }
0x110: {  	[hbm4b:s2+s3] =	stream.indirect_vreg.scatter [tilespmem:s29], [sflag:$0x1], $0x80, v3, vm0, $0xb8;
	[tilespmem:$0xC080] =	vst v63  }
0x111: {  	s30 =	simm.s32 $0xB080  }
0x112: {  	[hbm4b:s4+s3] =	stream.indirect_vreg.scatter [tilespmem:s30], [sflag:$0x1], $0x80, v3, vm0, $0xb8;
	[tilespmem:$0xC080] =	vst v63  }
0x113: {  	s9 =	simm.s32 $0xB880  }
0x114: {  	[hbm4b:s5+s3] =	stream.indirect_vreg.scatter [tilespmem:s9], [sflag:$0x1], $0x80, v3, vm0, $0xb8;
	[tilespmem:$0xC080] =	vst v63  }
0x115: {  	_ =	swait.ge [sflag:s1], $0xC000  }
0x116: {  	[sflag:s1] =	ssyncset.done $0x0  }
0x117: {  	s9 =	rddreg [dreg:$0xa];
	[sflag:s1] =	ssyncadd.s32 $0xFFFF4000  }
0x118: {  	[tilespmem:s3], [sflag:$0x2] =	stream.linear.gather [hbm4b:s9+s3], $0x40, $0x38;
	[tilespmem:$0xC080] =	vst v63  }
0x119: {  	_ =	swait.ge [sflag:s7], $0x40  }
0x11a: {  	[sflag:s7] =	ssyncset.done $0x0  }
0x11b: {  	s9 =	rddreg [dreg:$0xb];
	[sflag:s7] =	ssyncadd.s32 $0xFFFFFFC0  }
0x11c: {  	[tilespmem:s31], [sflag:$0x2] =	stream.linear.gather [hbm4b:s9+s3], $0xC000, $0x38;
	[tilespmem:$0xC080] =	vst v63  }
0x11d: {  	_ =	swait.ge [sflag:s7], $0xC000  }
0x11e: {  	[sflag:s7] =	ssyncset.done $0x0  }
0x11f: {  	[sflag:s7] =	ssyncadd.s32 $0xFFFF4000  }
0x120: {  	v3 =	vld [tilespmem:$0x0];
	_ =	sdelay $0x4  }
0x121: {  	v60 =	vshrl.u32 v3, $0x3  }
0x122: {  	v4 =	vmul.u32 $0x30, v60  }
0x123: {  	v3 =	vand.u32 $0x7, v3  }
0x124: {  	v3 =	vor.u32 v3, v4  }
0x125: {  	v4 =	vperm.xlane v3, v0;
	_ =	sdelay $0x1  }
0x126: {  	v4 =	vadd.s32 v1, v4;
	_ =	sdelay $0x3  }
0x127: {  	v3 =	vperm.xlane v3, v2  }
0x128: {  	[hbm4b:s2+s3] =	stream.indirect_vreg.scatter [tilespmem:s31], [sflag:$0x1], $0x80, v4, vm0, $0xb8;
	[tilespmem:$0xC080] =	vst v63  }
0x129: {  	s0 =	simm.s32 $0x880;
	v3 =	vadd.s32 v1, v3  }
0x12a: {  	[hbm4b:s4+s3] =	stream.indirect_vreg.scatter [tilespmem:s0], [sflag:$0x1], $0x80, v4, vm0, $0xb8;
	[tilespmem:$0xC080] =	vst v63  }
0x12b: {  	s8 =	simm.s32 $0x1080  }
0x12c: {  	[hbm4b:s5+s3] =	stream.indirect_vreg.scatter [tilespmem:s8], [sflag:$0x1], $0x80, v4, vm0, $0xb8;
	[tilespmem:$0xC080] =	vst v63  }
0x12d: {  	s10 =	simm.s32 $0x1880  }
0x12e: {  	[hbm4b:s2+s3] =	stream.indirect_vreg.scatter [tilespmem:s10], [sflag:$0x1], $0x80, v3, vm0, $0xb8;
	[tilespmem:$0xC080] =	vst v63  }
0x12f: {  	s11 =	simm.s32 $0x2080  }
0x130: {  	[hbm4b:s4+s3] =	stream.indirect_vreg.scatter [tilespmem:s11], [sflag:$0x1], $0x80, v3, vm0, $0xb8;
	[tilespmem:$0xC080] =	vst v63  }
0x131: {  	s12 =	simm.s32 $0x2880  }
0x132: {  	[hbm4b:s5+s3] =	stream.indirect_vreg.scatter [tilespmem:s12], [sflag:$0x1], $0x80, v3, vm0, $0xb8;
	[tilespmem:$0xC080] =	vst v63  }
0x133: {  	v3 =	vld [tilespmem:$0x10];
	_ =	sdelay $0x4  }
0x134: {  	v61 =	vshrl.u32 v3, $0x3  }
0x135: {  	v4 =	vmul.u32 $0x30, v61  }
0x136: {  	v3 =	vand.u32 $0x7, v3  }
0x137: {  	v3 =	vor.u32 v3, v4  }
0x138: {  	v4 =	vperm.xlane v3, v0;
	_ =	sdelay $0x1  }
0x139: {  	v4 =	vadd.s32 v1, v4;
	_ =	sdelay $0x3  }
0x13a: {  	s13 =	simm.s32 $0x3080;
	v3 =	vperm.xlane v3, v2  }
0x13b: {  	[hbm4b:s2+s3] =	stream.indirect_vreg.scatter [tilespmem:s13], [sflag:$0x1], $0x80, v4, vm0, $0xb8;
	[tilespmem:$0xC080] =	vst v63  }
0x13c: {  	s14 =	simm.s32 $0x3880;
	v3 =	vadd.s32 v1, v3  }
0x13d: {  	[hbm4b:s4+s3] =	stream.indirect_vreg.scatter [tilespmem:s14], [sflag:$0x1], $0x80, v4, vm0, $0xb8;
	[tilespmem:$0xC080] =	vst v63  }
0x13e: {  	s15 =	simm.s32 $0x4080  }
0x13f: {  	[hbm4b:s5+s3] =	stream.indirect_vreg.scatter [tilespmem:s15], [sflag:$0x1], $0x80, v4, vm0, $0xb8;
	[tilespmem:$0xC080] =	vst v63  }
0x140: {  	s16 =	simm.s32 $0x4880  }
0x141: {  	[hbm4b:s2+s3] =	stream.indirect_vreg.scatter [tilespmem:s16], [sflag:$0x1], $0x80, v3, vm0, $0xb8;
	[tilespmem:$0xC080] =	vst v63  }
0x142: {  	s17 =	simm.s32 $0x5080  }
0x143: {  	[hbm4b:s4+s3] =	stream.indirect_vreg.scatter [tilespmem:s17], [sflag:$0x1], $0x80, v3, vm0, $0xb8;
	[tilespmem:$0xC080] =	vst v63  }
0x144: {  	s18 =	simm.s32 $0x5880  }
0x145: {  	[hbm4b:s5+s3] =	stream.indirect_vreg.scatter [tilespmem:s18], [sflag:$0x1], $0x80, v3, vm0, $0xb8;
	[tilespmem:$0xC080] =	vst v63  }
0x146: {  	v3 =	vld [tilespmem:$0x20];
	_ =	sdelay $0x4  }
0x147: {  	v62 =	vshrl.u32 v3, $0x3  }
0x148: {  	v4 =	vmul.u32 $0x30, v62  }
0x149: {  	v3 =	vand.u32 $0x7, v3  }
0x14a: {  	v3 =	vor.u32 v3, v4  }
0x14b: {  	v4 =	vperm.xlane v3, v0;
	_ =	sdelay $0x1  }
0x14c: {  	v4 =	vadd.s32 v1, v4;
	_ =	sdelay $0x3  }
0x14d: {  	s19 =	simm.s32 $0x6080;
	v3 =	vperm.xlane v3, v2  }
0x14e: {  	[hbm4b:s2+s3] =	stream.indirect_vreg.scatter [tilespmem:s19], [sflag:$0x1], $0x80, v4, vm0, $0xb8;
	[tilespmem:$0xC080] =	vst v63  }
0x14f: {  	s20 =	simm.s32 $0x6880;
	v3 =	vadd.s32 v1, v3  }
0x150: {  	[hbm4b:s4+s3] =	stream.indirect_vreg.scatter [tilespmem:s20], [sflag:$0x1], $0x80, v4, vm0, $0xb8;
	[tilespmem:$0xC080] =	vst v63  }
0x151: {  	s21 =	simm.s32 $0x7080  }
0x152: {  	[hbm4b:s5+s3] =	stream.indirect_vreg.scatter [tilespmem:s21], [sflag:$0x1], $0x80, v4, vm0, $0xb8;
	[tilespmem:$0xC080] =	vst v63  }
0x153: {  	s22 =	simm.s32 $0x7880  }
0x154: {  	[hbm4b:s2+s3] =	stream.indirect_vreg.scatter [tilespmem:s22], [sflag:$0x1], $0x80, v3, vm0, $0xb8;
	[tilespmem:$0xC080] =	vst v63  }
0x155: {  	s23 =	simm.s32 $0x8080  }
0x156: {  	[hbm4b:s4+s3] =	stream.indirect_vreg.scatter [tilespmem:s23], [sflag:$0x1], $0x80, v3, vm0, $0xb8;
	[tilespmem:$0xC080] =	vst v63  }
0x157: {  	s24 =	simm.s32 $0x8880  }
0x158: {  	[hbm4b:s5+s3] =	stream.indirect_vreg.scatter [tilespmem:s24], [sflag:$0x1], $0x80, v3, vm0, $0xb8;
	[tilespmem:$0xC080] =	vst v63  }
0x159: {  	v3 =	vld [tilespmem:$0x30];
	_ =	sdelay $0x4  }
0x15a: {  	v63 =	vshrl.u32 v3, $0x3  }
0x15b: {  	v4 =	vmul.u32 $0x30, v63  }
0x15c: {  	v3 =	vand.u32 $0x7, v3  }
0x15d: {  	v3 =	vor.u32 v3, v4  }
0x15e: {  	v4 =	vperm.xlane v3, v0;
	_ =	sdelay $0x1  }
0x15f: {  	v4 =	vadd.s32 v1, v4;
	_ =	sdelay $0x3  }
0x160: {  	s25 =	simm.s32 $0x9080;
	v3 =	vperm.xlane v3, v2  }
0x161: {  	[hbm4b:s2+s3] =	stream.indirect_vreg.scatter [tilespmem:s25], [sflag:$0x1], $0x80, v4, vm0, $0xb8;
	[tilespmem:$0xC080] =	vst v63  }
0x162: {  	s26 =	simm.s32 $0x9880;
	v3 =	vadd.s32 v1, v3  }
0x163: {  	[hbm4b:s4+s3] =	stream.indirect_vreg.scatter [tilespmem:s26], [sflag:$0x1], $0x80, v4, vm0, $0xb8;
	[tilespmem:$0xC080] =	vst v63  }
0x164: {  	s28 =	simm.s32 $0xA080  }
0x165: {  	[hbm4b:s5+s3] =	stream.indirect_vreg.scatter [tilespmem:s28], [sflag:$0x1], $0x80, v4, vm0, $0xb8;
	[tilespmem:$0xC080] =	vst v63  }
0x166: {  	s29 =	simm.s32 $0xA880  }
0x167: {  	[hbm4b:s2+s3] =	stream.indirect_vreg.scatter [tilespmem:s29], [sflag:$0x1], $0x80, v3, vm0, $0xb8;
	[tilespmem:$0xC080] =	vst v63  }
0x168: {  	p0 =	sne.s32 s6, $0x1;
	s30 =	simm.s32 $0xB080  }
0x169: {  	[hbm4b:s4+s3] =	stream.indirect_vreg.scatter [tilespmem:s30], [sflag:$0x1], $0x80, v3, vm0, $0xb8;
	[tilespmem:$0xC080] =	vst v63  }
.Ltmp0:
0x16a: {  	s30 =	simm.s32 $0xB880;
	(pc) =	sbr.rel @p0 .LBB2_1-.Ltmp0, $4  }
0x16b: {  	[hbm4b:s5+s3] =	stream.indirect_vreg.scatter [tilespmem:s30], [sflag:$0x1], $0x80, v3, vm0, $0xb8;
	[tilespmem:$0xC080] =	vst v63  }
0x16c: {  	_ =	swait.ge [sflag:s1], $0xC000  }
0x16d: {  	[sflag:s1] =	ssyncset.done $0x0  }
0x16e: {  	s6 =	sadd.s32 $0xFFFFFFFF, s6;
	[sflag:s1] =	ssyncadd.s32 $0xFFFF4000  }
0x16f: {  	_ =	sfence.sel $0x180000  }
0x170: {  	[bflag:$0x0] =	sbarrier.arrive $0xFFFF  }
0x171: {  	_ =	strace $0x9000004A  }
0x172: {  	s0 =	stileid.u32;
	[bflag:$0x2] =	sbarrier.arrive $0xFFFF  }
0x173: {  	p0 =	sne.s32 s0, $0x0;
	s0 =	rddreg [dreg:$0x3]  }
0x174: {  	s0 =	sadd.s32 @!p0 $0x100000, s0  }
0x175: {  	[sflag:s0] =	ssyncadd.tile.s32 @!p0 $0x1;
	_ =	shalt  }
.Lfunc_end2:
_tile_overlayer_lowered:
.L_overlay_start_2:
0x176: {  	(tag) =	ssettag $0x2  }
0x177: {  	s0 =	rddreg [dreg:$0x0];
	s2 =	stileid.u32  }
0x178: {  	s1 =	rddreg [dreg:$0x1];
	p0 =	sne.s32 s2, $0x0  }
0x179: {  	s3 =	rddreg [dreg:$0x2];
	[bflag:$0x3] =	sbarrier.arrive $0xFFFF;
	s2 =	simm.s32 @!p0 $0x1C02  }
0x17a: {  	[timem:s3], [sflag:s2] =	dma.local @!p0 [hbm:s0], s1  }
0x17b: {  	s0 =	simm.s32 @!p0 $0x2  }
0x17c: {  	_ =	swait.ge @!p0 [sflag:s0], s1  }
0x17d: {  	s1 =	ssub.s32 @!p0 $0x0, s1;
	[sflag:s0] =	ssyncset.done @!p0 $0x0  }
0x17e: {  	[sflag:s0] =	ssyncadd.s32 @!p0 s1  }
0x17f: {  	[bflag:$0x3] =	sbarrier.arrive $0xFFFF  }
0x180: {  	_ =	shalt  }

</sc_bundles>
